<compile_context>
chip_gen: v7x
topology: tpu7x:2x2x1
jax: 0.10.2.dev20260603
libtpu: 0.0.44.dev20260713+nightly
codegen_flags: <defaults>
</compile_context>

<pallas_src>
import functools

import jax
import jax.numpy as jnp
from jax import lax
from jax.experimental import pallas as pl
from jax.experimental.pallas import tpu as pltpu
from jax.experimental.pallas import tpu_sc as plsc

N = 10000
E = 320000
D = 128

NUM_CORES = 2
NUM_SUBCORES = 16
NW = NUM_CORES * NUM_SUBCORES
K = 128
EPW_PAD = 10240
E_PAD = NW * EPW_PAD
C = EPW_PAD // K
H = 2
CH = C // H
NBLK = E // K
PARTIAL = NBLK - (NW - 1) * C
ROWS_PER_TILE = 624
TAIL_ROWS = N - NUM_SUBCORES * ROWS_PER_TILE


def _sc_aggregate(x, blocks):
    mesh = plsc.VectorSubcoreMesh(core_axis_name="c", subcore_axis_name="s")

    @functools.partial(
        pl.kernel,
        out_type=jax.ShapeDtypeStruct((NUM_CORES, N, D), jnp.float32),
        mesh=mesh,
        scratch_types=[
            pltpu.VMEM((CH, 2, K), jnp.int32),
            pltpu.VMEM((K, D), jnp.float32),
            pltpu.VMEM((K, D), jnp.float32),
            pltpu.VMEM_SHARED((N, D), jnp.float32),
            pltpu.SemaphoreType.DMA,
            pltpu.SemaphoreType.DMA,
        ],
    )
    def k(x_hbm, blk_hbm, part_hbm, bv, gbuf0, gbuf1, acc, sem0, sem1):
        cid = lax.axis_index("c")
        sid = lax.axis_index("s")
        wid = cid * NUM_SUBCORES + sid

        zrow = jnp.zeros((16,), dtype=jnp.float32)

        def zbody(r, carry):
            for u in range(D // 16):
                gbuf0[r, pl.ds(u * 16, 16)] = zrow
            return carry

        lax.fori_loop(0, K, zbody, 0)

        r0 = sid * ROWS_PER_TILE
        for b in range(ROWS_PER_TILE // K):
            pltpu.sync_copy(gbuf0, acc.at[pl.ds(r0 + b * K, K)])
        rem = ROWS_PER_TILE % K
        pltpu.sync_copy(gbuf0.at[pl.ds(0, rem)],
                        acc.at[pl.ds(r0 + (ROWS_PER_TILE // K) * K, rem)])

        @pl.when(sid == NUM_SUBCORES - 1)
        def _():
            t0 = NUM_SUBCORES * ROWS_PER_TILE
            pltpu.sync_copy(gbuf0.at[pl.ds(0, TAIL_ROWS)],
                            acc.at[pl.ds(t0, TAIL_ROWS)])

        plsc.subcore_barrier()

        nchunks = jnp.clip((E - wid * EPW_PAD) // K, 0, C)

        def half(h, carry):
            cnt = jnp.clip(nchunks - h * CH, 0, CH)
            npairs = cnt // 2

            @pl.when(cnt == CH)
            def _():
                pltpu.sync_copy(blk_hbm.at[pl.ds(wid * C + h * CH, CH)], bv)

            @pl.when((cnt > 0) & (cnt < CH))
            def _():
                pltpu.sync_copy(blk_hbm.at[pl.ds(wid * C + h * CH, PARTIAL)],
                                bv.at[pl.ds(0, PARTIAL)])

            @pl.when(cnt > 0)
            def _():

                pltpu.async_copy(x_hbm.at[bv.at[0, 1]], gbuf0, sem0)

                def body(i, carry):
                    j0 = 2 * i
                    j1 = j0 + 1
                    pltpu.async_copy(x_hbm.at[bv.at[j1, 1]], gbuf1, sem1)
                    pltpu.make_async_copy(x_hbm.at[bv.at[j0, 1]], gbuf0,
                                          sem0).wait()
                    pltpu.sync_copy(gbuf0, acc.at[bv.at[j0, 0]], add=True)

                    @pl.when(i < npairs - 1)
                    def _():
                        pltpu.async_copy(x_hbm.at[bv.at[j1 + 1, 1]], gbuf0,
                                         sem0)

                    pltpu.make_async_copy(x_hbm.at[bv.at[j1, 1]], gbuf1,
                                          sem1).wait()
                    pltpu.sync_copy(gbuf1, acc.at[bv.at[j1, 0]], add=True)
                    return carry

                lax.fori_loop(0, npairs, body, 0)

            return carry

        lax.fori_loop(0, H, half, 0)
        plsc.subcore_barrier()

        pltpu.sync_copy(acc.at[pl.ds(r0, ROWS_PER_TILE)],
                        part_hbm.at[cid, pl.ds(r0, ROWS_PER_TILE)])

        @pl.when(sid == NUM_SUBCORES - 1)
        def _():
            t0 = NUM_SUBCORES * ROWS_PER_TILE
            pltpu.sync_copy(acc.at[pl.ds(t0, TAIL_ROWS)],
                            part_hbm.at[cid, pl.ds(t0, TAIL_ROWS)])

    return k(x, blocks)


def _tc_combine_matmul(partials, W):
    BLK = 5000

    def body(p_ref, w_ref, o_ref):
        s = p_ref[0] + p_ref[1]
        o_ref[...] = lax.dot_general(
            s, w_ref[...], (((1,), (1,)), ((), ())),
            preferred_element_type=jnp.float32)

    return pl.pallas_call(
        body,
        grid=(N // BLK,),
        in_specs=[
            pl.BlockSpec((NUM_CORES, BLK, D), lambda i: (0, i, 0)),
            pl.BlockSpec((D, D), lambda i: (0, 0)),
        ],
        out_specs=pl.BlockSpec((BLK, D), lambda i: (i, 0)),
        out_shape=jax.ShapeDtypeStruct((N, D), jnp.float32),
    )(partials, W)


@jax.jit
def kernel(x, edge_index, W):
    blocks = edge_index.reshape(2, NBLK, K).transpose(1, 0, 2)
    partials = _sc_aggregate(x, blocks)
    return _tc_combine_matmul(partials, W)

# --- scband reference (transcript-rebuilt; emitter-appended) ---
"""Pipeline reference for scband-vanilla-gnnlayer-5600637354090 (READ-ONLY COPY).

The authoritative reference and input builder live on the scoring server;
editing this copy changes nothing except your own understanding.
"""

import jax, jax.numpy as jnp
import numpy as np

N = 10000
E = 320000
D_IN = 128
D_OUT = 128


def setup_inputs(seed: int = 0) -> dict:
    key = jax.random.key(seed)
    k1, k2, k3 = jax.random.split(key, 3)
    x = jax.random.normal(k1, (N, D_IN), dtype=jnp.float32)
    edge_index = jax.random.randint(k2, (2, E), 0, N, dtype=jnp.int32)
    # Linear weight, torch convention: [out_features, in_features], no bias
    W = jax.random.normal(k3, (D_OUT, D_IN), dtype=jnp.float32) * (1.0 / np.sqrt(D_IN))
    return {"x": x, "edge_index": edge_index, "W": W}


def reference(x, edge_index, W):
    # h = self.linear(x)  (Linear without bias: x @ W.T)
    h = x @ W.T
    # torch.sparse.mm(adjacency, h) with binary COO adjacency given by
    # edge_index = [rows; cols]: out[row] += h[col]  (scatter-add over rows)
    row = edge_index[0]
    col = edge_index[1]
    out = jnp.zeros((N, D_OUT), dtype=h.dtype).at[row].add(h[col])
    return out

if __name__ == "__main__":
    import jax
    _d = setup_inputs()
    print(jax.jit(kernel)(*tuple(_d.values())))

</pallas_src>

<mosaic_0001>
#map = affine_map<(d0, d1) -> (0, 0)>
#map1 = affine_map<(d0, d1) -> (0, 0, 0)>
module attributes {stable_mosaic.version = 14 : i64} {
  func.func @k(%arg0: i32, %arg1: i32, %arg2: memref<10000x128xf32, #tpu.memory_space<hbm>>, %arg3: memref<2500x2x128xi32, #tpu.memory_space<hbm>>, %arg4: memref<2x10000x128xf32, #tpu.memory_space<hbm>>, %arg5: memref<40x2x128xi32, #tpu.memory_space<vmem>>, %arg6: memref<128x128xf32, #tpu.memory_space<vmem>>, %arg7: memref<128x128xf32, #tpu.memory_space<vmem>>, %arg8: memref<10000x128xf32, #tpu.memory_space<vmem_shared>>, %arg9: memref<!tpu.dma_semaphore, #tpu.memory_space<semaphore_mem>>, %arg10: memref<!tpu.dma_semaphore, #tpu.memory_space<semaphore_mem>>) attributes {dimension_semantics = [#tpu.dimension_semantics<core_parallel>, #tpu.dimension_semantics<subcore_parallel>], iteration_bounds = array<i64: 2, 16>, scalar_prefetch = 0 : i64, scratch_operands = 6 : i64, tpu.core_type = #tpu.core_type<sc_vector_subcore>, window_params = [{transform_indices = #map}, {transform_indices = #map1}, {transform_indices = #map1}]} {
    %mul3A = arith.constant 16 : i32
    %mul3A_0 = arith.muli %arg0, %mul3A : i32
    %add3A = arith.addi %mul3A_0, %arg1 : i32
    %broadcast_in_dim3A = arith.constant 0.000000e+00 : f32
    %broadcast_in_dim3A_1 = vector.broadcast %broadcast_in_dim3A : f32 to vector<16xf32>
    %scan3A = arith.constant 0 : i32
    %scan3A_2 = arith.constant 0 : i32
    %scan3A_3 = arith.constant 128 : i32
    %scan3A_4 = arith.addi %scan3A_2, %scan3A_3 : i32
    %scan3A_5 = arith.constant 1 : i32
    scf.for %scan3A_55 = %scan3A_2 to %scan3A_4 step %scan3A_5  : i32 {
      %swap3A = arith.index_cast %scan3A_55 : i32 to index
      %swap3A_56 = arith.constant 0 : index
      %swap3A_57 = tpu.vector_load %arg6[%swap3A, %swap3A_56] {strides = array<i32>} : memref<128x128xf32, #tpu.memory_space<vmem>>, vector<1x16xf32>,
      %swap3A_58 = vector.shape_cast %swap3A_57 : vector<1x16xf32> to vector<16xf32>
      %swap3A_59 = vector.shape_cast %broadcast_in_dim3A_1 : vector<16xf32> to vector<1x16xf32>
      tpu.vector_store %arg6[%swap3A, %swap3A_56], %swap3A_59 {strides = array<i32>} : memref<128x128xf32, #tpu.memory_space<vmem>>, vector<1x16xf32>,
      %swap3A_60 = arith.index_cast %scan3A_55 : i32 to index
      %swap3A_61 = arith.constant 16 : index
      %swap3A_62 = tpu.vector_load %arg6[%swap3A_60, %swap3A_61] {strides = array<i32>} : memref<128x128xf32, #tpu.memory_space<vmem>>, vector<1x16xf32>,
      %swap3A_63 = vector.shape_cast %swap3A_62 : vector<1x16xf32> to vector<16xf32>
      %swap3A_64 = vector.shape_cast %broadcast_in_dim3A_1 : vector<16xf32> to vector<1x16xf32>
      tpu.vector_store %arg6[%swap3A_60, %swap3A_61], %swap3A_64 {strides = array<i32>} : memref<128x128xf32, #tpu.memory_space<vmem>>, vector<1x16xf32>,
      %swap3A_65 = arith.index_cast %scan3A_55 : i32 to index
      %swap3A_66 = arith.constant 32 : index
      %swap3A_67 = tpu.vector_load %arg6[%swap3A_65, %swap3A_66] {strides = array<i32>} : memref<128x128xf32, #tpu.memory_space<vmem>>, vector<1x16xf32>,
      %swap3A_68 = vector.shape_cast %swap3A_67 : vector<1x16xf32> to vector<16xf32>
      %swap3A_69 = vector.shape_cast %broadcast_in_dim3A_1 : vector<16xf32> to vector<1x16xf32>
      tpu.vector_store %arg6[%swap3A_65, %swap3A_66], %swap3A_69 {strides = array<i32>} : memref<128x128xf32, #tpu.memory_space<vmem>>, vector<1x16xf32>,
      %swap3A_70 = arith.index_cast %scan3A_55 : i32 to index
      %swap3A_71 = arith.constant 48 : index
      %swap3A_72 = tpu.vector_load %arg6[%swap3A_70, %swap3A_71] {strides = array<i32>} : memref<128x128xf32, #tpu.memory_space<vmem>>, vector<1x16xf32>,
      %swap3A_73 = vector.shape_cast %swap3A_72 : vector<1x16xf32> to vector<16xf32>
      %swap3A_74 = vector.shape_cast %broadcast_in_dim3A_1 : vector<16xf32> to vector<1x16xf32>
      tpu.vector_store %arg6[%swap3A_70, %swap3A_71], %swap3A_74 {strides = array<i32>} : memref<128x128xf32, #tpu.memory_space<vmem>>, vector<1x16xf32>,
      %swap3A_75 = arith.index_cast %scan3A_55 : i32 to index
      %swap3A_76 = arith.constant 64 : index
      %swap3A_77 = tpu.vector_load %arg6[%swap3A_75, %swap3A_76] {strides = array<i32>} : memref<128x128xf32, #tpu.memory_space<vmem>>, vector<1x16xf32>,
      %swap3A_78 = vector.shape_cast %swap3A_77 : vector<1x16xf32> to vector<16xf32>
      %swap3A_79 = vector.shape_cast %broadcast_in_dim3A_1 : vector<16xf32> to vector<1x16xf32>
      tpu.vector_store %arg6[%swap3A_75, %swap3A_76], %swap3A_79 {strides = array<i32>} : memref<128x128xf32, #tpu.memory_space<vmem>>, vector<1x16xf32>,
      %swap3A_80 = arith.index_cast %scan3A_55 : i32 to index
      %swap3A_81 = arith.constant 80 : index
      %swap3A_82 = tpu.vector_load %arg6[%swap3A_80, %swap3A_81] {strides = array<i32>} : memref<128x128xf32, #tpu.memory_space<vmem>>, vector<1x16xf32>,
      %swap3A_83 = vector.shape_cast %swap3A_82 : vector<1x16xf32> to vector<16xf32>
      %swap3A_84 = vector.shape_cast %broadcast_in_dim3A_1 : vector<16xf32> to vector<1x16xf32>
      tpu.vector_store %arg6[%swap3A_80, %swap3A_81], %swap3A_84 {strides = array<i32>} : memref<128x128xf32, #tpu.memory_space<vmem>>, vector<1x16xf32>,
      %swap3A_85 = arith.index_cast %scan3A_55 : i32 to index
      %swap3A_86 = arith.constant 96 : index
      %swap3A_87 = tpu.vector_load %arg6[%swap3A_85, %swap3A_86] {strides = array<i32>} : memref<128x128xf32, #tpu.memory_space<vmem>>, vector<1x16xf32>,
      %swap3A_88 = vector.shape_cast %swap3A_87 : vector<1x16xf32> to vector<16xf32>
      %swap3A_89 = vector.shape_cast %broadcast_in_dim3A_1 : vector<16xf32> to vector<1x16xf32>
      tpu.vector_store %arg6[%swap3A_85, %swap3A_86], %swap3A_89 {strides = array<i32>} : memref<128x128xf32, #tpu.memory_space<vmem>>, vector<1x16xf32>,
      %swap3A_90 = arith.index_cast %scan3A_55 : i32 to index
      %swap3A_91 = arith.constant 112 : index
      %swap3A_92 = tpu.vector_load %arg6[%swap3A_90, %swap3A_91] {strides = array<i32>} : memref<128x128xf32, #tpu.memory_space<vmem>>, vector<1x16xf32>,
      %swap3A_93 = vector.shape_cast %swap3A_92 : vector<1x16xf32> to vector<16xf32>
      %swap3A_94 = vector.shape_cast %broadcast_in_dim3A_1 : vector<16xf32> to vector<1x16xf32>
      tpu.vector_store %arg6[%swap3A_90, %swap3A_91], %swap3A_94 {strides = array<i32>} : memref<128x128xf32, #tpu.memory_space<vmem>>, vector<1x16xf32>,
    }
    %scan3A_6 = arith.constant 128 : i32
    %mul3A_7 = arith.constant 624 : i32
    %mul3A_8 = arith.muli %arg1, %mul3A_7 : i32
    %add3A_9 = arith.constant 0 : i32
    %add3A_10 = arith.addi %mul3A_8, %add3A_9 : i32
    "tpu.region"() ({
      %run_scoped3A = tpu.sem_alloc : memref<!tpu.dma_semaphore, #tpu.memory_space<semaphore_mem>>
      %dma_start3A = arith.constant 0 : i32
      %dma_start3A_55 = tpu.memref_slice %arg8[%add3A_10, %dma_start3A] : memref<10000x128xf32, #tpu.memory_space<vmem_shared>> -> memref<128x128xf32, #tpu.memory_space<vmem_shared>>
      %dma_start3A_56 = arith.constant 0 : i32
      %dma_start3A_57 = tpu.memref_slice %arg8[%add3A_10, %dma_start3A_56] : memref<10000x128xf32, #tpu.memory_space<vmem_shared>> -> memref<128x128xf32, #tpu.memory_space<vmem_shared>>
      tpu.enqueue_dma source(%arg6 : memref<128x128xf32, #tpu.memory_space<vmem>>) target(%dma_start3A_57 : memref<128x128xf32, #tpu.memory_space<vmem_shared>>) target_semaphore(%run_scoped3A : memref<!tpu.dma_semaphore, #tpu.memory_space<semaphore_mem>>)
      %dma_wait3A = arith.constant 0 : i32
      %dma_wait3A_58 = tpu.memref_slice %arg8[%add3A_10, %dma_wait3A] : memref<10000x128xf32, #tpu.memory_space<vmem_shared>> -> memref<128x128xf32, #tpu.memory_space<vmem_shared>>
      %dma_wait3A_59 = arith.constant 0 : i32
      %dma_wait3A_60 = tpu.memref_slice %arg8[%add3A_10, %dma_wait3A_59] : memref<10000x128xf32, #tpu.memory_space<vmem_shared>> -> memref<128x128xf32, #tpu.memory_space<vmem_shared>>
      tpu.wait_dma2 semaphore(%run_scoped3A : memref<!tpu.dma_semaphore, #tpu.memory_space<semaphore_mem>>) src(%arg6 : memref<128x128xf32, #tpu.memory_space<vmem>>) dst(%dma_wait3A_60 : memref<128x128xf32, #tpu.memory_space<vmem_shared>>)
      tpu.yield
    }) : () -> ()
    %add3A_11 = arith.constant 128 : i32
    %add3A_12 = arith.addi %mul3A_8, %add3A_11 : i32
    "tpu.region"() ({
      %run_scoped3A = tpu.sem_alloc : memref<!tpu.dma_semaphore, #tpu.memory_space<semaphore_mem>>
      %dma_start3A = arith.constant 0 : i32
      %dma_start3A_55 = tpu.memref_slice %arg8[%add3A_12, %dma_start3A] : memref<10000x128xf32, #tpu.memory_space<vmem_shared>> -> memref<128x128xf32, #tpu.memory_space<vmem_shared>>
      %dma_start3A_56 = arith.constant 0 : i32
      %dma_start3A_57 = tpu.memref_slice %arg8[%add3A_12, %dma_start3A_56] : memref<10000x128xf32, #tpu.memory_space<vmem_shared>> -> memref<128x128xf32, #tpu.memory_space<vmem_shared>>
      tpu.enqueue_dma source(%arg6 : memref<128x128xf32, #tpu.memory_space<vmem>>) target(%dma_start3A_57 : memref<128x128xf32, #tpu.memory_space<vmem_shared>>) target_semaphore(%run_scoped3A : memref<!tpu.dma_semaphore, #tpu.memory_space<semaphore_mem>>)
      %dma_wait3A = arith.constant 0 : i32
      %dma_wait3A_58 = tpu.memref_slice %arg8[%add3A_12, %dma_wait3A] : memref<10000x128xf32, #tpu.memory_space<vmem_shared>> -> memref<128x128xf32, #tpu.memory_space<vmem_shared>>
      %dma_wait3A_59 = arith.constant 0 : i32
      %dma_wait3A_60 = tpu.memref_slice %arg8[%add3A_12, %dma_wait3A_59] : memref<10000x128xf32, #tpu.memory_space<vmem_shared>> -> memref<128x128xf32, #tpu.memory_space<vmem_shared>>
      tpu.wait_dma2 semaphore(%run_scoped3A : memref<!tpu.dma_semaphore, #tpu.memory_space<semaphore_mem>>) src(%arg6 : memref<128x128xf32, #tpu.memory_space<vmem>>) dst(%dma_wait3A_60 : memref<128x128xf32, #tpu.memory_space<vmem_shared>>)
      tpu.yield
    }) : () -> ()
    %add3A_13 = arith.constant 256 : i32
    %add3A_14 = arith.addi %mul3A_8, %add3A_13 : i32
    "tpu.region"() ({
      %run_scoped3A = tpu.sem_alloc : memref<!tpu.dma_semaphore, #tpu.memory_space<semaphore_mem>>
      %dma_start3A = arith.constant 0 : i32
      %dma_start3A_55 = tpu.memref_slice %arg8[%add3A_14, %dma_start3A] : memref<10000x128xf32, #tpu.memory_space<vmem_shared>> -> memref<128x128xf32, #tpu.memory_space<vmem_shared>>
      %dma_start3A_56 = arith.constant 0 : i32
      %dma_start3A_57 = tpu.memref_slice %arg8[%add3A_14, %dma_start3A_56] : memref<10000x128xf32, #tpu.memory_space<vmem_shared>> -> memref<128x128xf32, #tpu.memory_space<vmem_shared>>
      tpu.enqueue_dma source(%arg6 : memref<128x128xf32, #tpu.memory_space<vmem>>) target(%dma_start3A_57 : memref<128x128xf32, #tpu.memory_space<vmem_shared>>) target_semaphore(%run_scoped3A : memref<!tpu.dma_semaphore, #tpu.memory_space<semaphore_mem>>)
      %dma_wait3A = arith.constant 0 : i32
      %dma_wait3A_58 = tpu.memref_slice %arg8[%add3A_14, %dma_wait3A] : memref<10000x128xf32, #tpu.memory_space<vmem_shared>> -> memref<128x128xf32, #tpu.memory_space<vmem_shared>>
      %dma_wait3A_59 = arith.constant 0 : i32
      %dma_wait3A_60 = tpu.memref_slice %arg8[%add3A_14, %dma_wait3A_59] : memref<10000x128xf32, #tpu.memory_space<vmem_shared>> -> memref<128x128xf32, #tpu.memory_space<vmem_shared>>
      tpu.wait_dma2 semaphore(%run_scoped3A : memref<!tpu.dma_semaphore, #tpu.memory_space<semaphore_mem>>) src(%arg6 : memref<128x128xf32, #tpu.memory_space<vmem>>) dst(%dma_wait3A_60 : memref<128x128xf32, #tpu.memory_space<vmem_shared>>)
      tpu.yield
    }) : () -> ()
    %add3A_15 = arith.constant 384 : i32
    %add3A_16 = arith.addi %mul3A_8, %add3A_15 : i32
    "tpu.region"() ({
      %run_scoped3A = tpu.sem_alloc : memref<!tpu.dma_semaphore, #tpu.memory_space<semaphore_mem>>
      %dma_start3A = arith.constant 0 : i32
      %dma_start3A_55 = tpu.memref_slice %arg8[%add3A_16, %dma_start3A] : memref<10000x128xf32, #tpu.memory_space<vmem_shared>> -> memref<128x128xf32, #tpu.memory_space<vmem_shared>>
      %dma_start3A_56 = arith.constant 0 : i32
      %dma_start3A_57 = tpu.memref_slice %arg8[%add3A_16, %dma_start3A_56] : memref<10000x128xf32, #tpu.memory_space<vmem_shared>> -> memref<128x128xf32, #tpu.memory_space<vmem_shared>>
      tpu.enqueue_dma source(%arg6 : memref<128x128xf32, #tpu.memory_space<vmem>>) target(%dma_start3A_57 : memref<128x128xf32, #tpu.memory_space<vmem_shared>>) target_semaphore(%run_scoped3A : memref<!tpu.dma_semaphore, #tpu.memory_space<semaphore_mem>>)
      %dma_wait3A = arith.constant 0 : i32
      %dma_wait3A_58 = tpu.memref_slice %arg8[%add3A_16, %dma_wait3A] : memref<10000x128xf32, #tpu.memory_space<vmem_shared>> -> memref<128x128xf32, #tpu.memory_space<vmem_shared>>
      %dma_wait3A_59 = arith.constant 0 : i32
      %dma_wait3A_60 = tpu.memref_slice %arg8[%add3A_16, %dma_wait3A_59] : memref<10000x128xf32, #tpu.memory_space<vmem_shared>> -> memref<128x128xf32, #tpu.memory_space<vmem_shared>>
      tpu.wait_dma2 semaphore(%run_scoped3A : memref<!tpu.dma_semaphore, #tpu.memory_space<semaphore_mem>>) src(%arg6 : memref<128x128xf32, #tpu.memory_space<vmem>>) dst(%dma_wait3A_60 : memref<128x128xf32, #tpu.memory_space<vmem_shared>>)
      tpu.yield
    }) : () -> ()
    %add3A_17 = arith.constant 512 : i32
    %add3A_18 = arith.addi %mul3A_8, %add3A_17 : i32
    "tpu.region"() ({
      %run_scoped3A = tpu.sem_alloc : memref<!tpu.dma_semaphore, #tpu.memory_space<semaphore_mem>>
      %dma_start3A = arith.constant 0 : i32
      %dma_start3A_55 = arith.constant 0 : i32
      %dma_start3A_56 = tpu.memref_slice %arg6[%dma_start3A, %dma_start3A_55] : memref<128x128xf32, #tpu.memory_space<vmem>> -> memref<112x128xf32, #tpu.memory_space<vmem>>
      %dma_start3A_57 = arith.constant 0 : i32
      %dma_start3A_58 = tpu.memref_slice %arg8[%add3A_18, %dma_start3A_57] : memref<10000x128xf32, #tpu.memory_space<vmem_shared>> -> memref<112x128xf32, #tpu.memory_space<vmem_shared>>
      %dma_start3A_59 = arith.constant 0 : i32
      %dma_start3A_60 = tpu.memref_slice %arg8[%add3A_18, %dma_start3A_59] : memref<10000x128xf32, #tpu.memory_space<vmem_shared>> -> memref<112x128xf32, #tpu.memory_space<vmem_shared>>
      %dma_start3A_61 = arith.constant 0 : i32
      %dma_start3A_62 = arith.constant 0 : i32
      %dma_start3A_63 = tpu.memref_slice %arg6[%dma_start3A_61, %dma_start3A_62] : memref<128x128xf32, #tpu.memory_space<vmem>> -> memref<112x128xf32, #tpu.memory_space<vmem>>
      tpu.enqueue_dma source(%dma_start3A_63 : memref<112x128xf32, #tpu.memory_space<vmem>>) target(%dma_start3A_60 : memref<112x128xf32, #tpu.memory_space<vmem_shared>>) target_semaphore(%run_scoped3A : memref<!tpu.dma_semaphore, #tpu.memory_space<semaphore_mem>>)
      %dma_wait3A = arith.constant 0 : i32
      %dma_wait3A_64 = arith.constant 0 : i32
      %dma_wait3A_65 = tpu.memref_slice %arg6[%dma_wait3A, %dma_wait3A_64] : memref<128x128xf32, #tpu.memory_space<vmem>> -> memref<112x128xf32, #tpu.memory_space<vmem>>
      %dma_wait3A_66 = arith.constant 0 : i32
      %dma_wait3A_67 = tpu.memref_slice %arg8[%add3A_18, %dma_wait3A_66] : memref<10000x128xf32, #tpu.memory_space<vmem_shared>> -> memref<112x128xf32, #tpu.memory_space<vmem_shared>>
      %dma_wait3A_68 = arith.constant 0 : i32
      %dma_wait3A_69 = tpu.memref_slice %arg8[%add3A_18, %dma_wait3A_68] : memref<10000x128xf32, #tpu.memory_space<vmem_shared>> -> memref<112x128xf32, #tpu.memory_space<vmem_shared>>
      %dma_wait3A_70 = arith.constant 0 : i32
      %dma_wait3A_71 = arith.constant 0 : i32
      %dma_wait3A_72 = tpu.memref_slice %arg6[%dma_wait3A_70, %dma_wait3A_71] : memref<128x128xf32, #tpu.memory_space<vmem>> -> memref<112x128xf32, #tpu.memory_space<vmem>>
      tpu.wait_dma2 semaphore(%run_scoped3A : memref<!tpu.dma_semaphore, #tpu.memory_space<semaphore_mem>>) src(%dma_wait3A_72 : memref<112x128xf32, #tpu.memory_space<vmem>>) dst(%dma_wait3A_69 : memref<112x128xf32, #tpu.memory_space<vmem_shared>>)
      tpu.yield
    }) : () -> ()
    %eq3A = arith.constant 15 : i32
    %eq3A_19 = arith.cmpi eq, %arg1, %eq3A : i32
    %convert_element_type3A = arith.extui %eq3A_19 : i1 to i32
    %cond3A = arith.constant 0 : i32
    %cond3A_20 = arith.cmpi ne, %convert_element_type3A, %cond3A : i32
    scf.if %cond3A_20 {
      "tpu.region"() ({
        %run_scoped3A = tpu.sem_alloc : memref<!tpu.dma_semaphore, #tpu.memory_space<semaphore_mem>>
        %dma_start3A = arith.constant 0 : i32
        %dma_start3A_55 = arith.constant 0 : i32
        %dma_start3A_56 = tpu.memref_slice %arg6[%dma_start3A, %dma_start3A_55] : memref<128x128xf32, #tpu.memory_space<vmem>> -> memref<16x128xf32, #tpu.memory_space<vmem>>
        %dma_start3A_57 = arith.constant 9984 : i32
        %dma_start3A_58 = arith.constant 0 : i32
        %dma_start3A_59 = tpu.memref_slice %arg8[%dma_start3A_57, %dma_start3A_58] : memref<10000x128xf32, #tpu.memory_space<vmem_shared>> -> memref<16x128xf32, #tpu.memory_space<vmem_shared>>
        %dma_start3A_60 = arith.constant 9984 : i32
        %dma_start3A_61 = arith.constant 0 : i32
        %dma_start3A_62 = tpu.memref_slice %arg8[%dma_start3A_60, %dma_start3A_61] : memref<10000x128xf32, #tpu.memory_space<vmem_shared>> -> memref<16x128xf32, #tpu.memory_space<vmem_shared>>
        %dma_start3A_63 = arith.constant 0 : i32
        %dma_start3A_64 = arith.constant 0 : i32
        %dma_start3A_65 = tpu.memref_slice %arg6[%dma_start3A_63, %dma_start3A_64] : memref<128x128xf32, #tpu.memory_space<vmem>> -> memref<16x128xf32, #tpu.memory_space<vmem>>
        tpu.enqueue_dma source(%dma_start3A_65 : memref<16x128xf32, #tpu.memory_space<vmem>>) target(%dma_start3A_62 : memref<16x128xf32, #tpu.memory_space<vmem_shared>>) target_semaphore(%run_scoped3A : memref<!tpu.dma_semaphore, #tpu.memory_space<semaphore_mem>>)
        %dma_wait3A = arith.constant 0 : i32
        %dma_wait3A_66 = arith.constant 0 : i32
        %dma_wait3A_67 = tpu.memref_slice %arg6[%dma_wait3A, %dma_wait3A_66] : memref<128x128xf32, #tpu.memory_space<vmem>> -> memref<16x128xf32, #tpu.memory_space<vmem>>
        %dma_wait3A_68 = arith.constant 9984 : i32
        %dma_wait3A_69 = arith.constant 0 : i32
        %dma_wait3A_70 = tpu.memref_slice %arg8[%dma_wait3A_68, %dma_wait3A_69] : memref<10000x128xf32, #tpu.memory_space<vmem_shared>> -> memref<16x128xf32, #tpu.memory_space<vmem_shared>>
        %dma_wait3A_71 = arith.constant 9984 : i32
        %dma_wait3A_72 = arith.constant 0 : i32
        %dma_wait3A_73 = tpu.memref_slice %arg8[%dma_wait3A_71, %dma_wait3A_72] : memref<10000x128xf32, #tpu.memory_space<vmem_shared>> -> memref<16x128xf32, #tpu.memory_space<vmem_shared>>
        %dma_wait3A_74 = arith.constant 0 : i32
        %dma_wait3A_75 = arith.constant 0 : i32
        %dma_wait3A_76 = tpu.memref_slice %arg6[%dma_wait3A_74, %dma_wait3A_75] : memref<128x128xf32, #tpu.memory_space<vmem>> -> memref<16x128xf32, #tpu.memory_space<vmem>>
        tpu.wait_dma2 semaphore(%run_scoped3A : memref<!tpu.dma_semaphore, #tpu.memory_space<semaphore_mem>>) src(%dma_wait3A_76 : memref<16x128xf32, #tpu.memory_space<vmem>>) dst(%dma_wait3A_73 : memref<16x128xf32, #tpu.memory_space<vmem_shared>>)
        tpu.yield
      }) : () -> ()
    } else {
    }
    %barrier3A = arith.constant 0 : index
    tpu.barrier barrier_id(%barrier3A)
    %mul3A_21 = arith.constant 10240 : i32
    %mul3A_22 = arith.muli %add3A, %mul3A_21 : i32
    %sub3A = arith.constant 320000 : i32
    %sub3A_23 = arith.subi %sub3A, %mul3A_22 : i32
    %jit3A = arith.constant 128 : i32
    %div3A = arith.divsi %sub3A_23, %jit3A : i32
    %sign3A = arith.constant 0 : i32
    %sign3A_24 = arith.cmpi sgt, %sub3A_23, %sign3A : i32
    %sign3A_25 = arith.extui %sign3A_24 : i1 to i32
    %sign3A_26 = arith.constant 0 : i32
    %sign3A_27 = arith.cmpi slt, %sub3A_23, %sign3A_26 : i32
    %sign3A_28 = arith.extui %sign3A_27 : i1 to i32
    %sign3A_29 = arith.subi %sign3A_25, %sign3A_28 : i32
    %sign3A_30 = arith.constant 0 : i32
    %sign3A_31 = arith.cmpi sgt, %jit3A, %sign3A_30 : i32
    %sign3A_32 = arith.extui %sign3A_31 : i1 to i32
    %sign3A_33 = arith.constant 0 : i32
    %sign3A_34 = arith.cmpi slt, %jit3A, %sign3A_33 : i32
    %sign3A_35 = arith.extui %sign3A_34 : i1 to i32
    %sign3A_36 = arith.subi %sign3A_32, %sign3A_35 : i32
    %ne3A = arith.cmpi ne, %sign3A_29, %sign3A_36 : i32
    %rem3A = arith.remsi %sub3A_23, %jit3A : i32
    %ne3A_37 = arith.constant 0 : i32
    %ne3A_38 = arith.cmpi ne, %rem3A, %ne3A_37 : i32
    %and3A = arith.andi %ne3A, %ne3A_38 : i1
    %sub3A_39 = arith.constant 1 : i32
    %sub3A_40 = arith.subi %div3A, %sub3A_39 : i32
    %select_n3A = arith.select %and3A, %sub3A_40, %div3A : i32
    %jit3A_41 = arith.constant 0 : i32
    %jit3A_42 = arith.constant 80 : i32
    %max3A = arith.maxsi %jit3A_41, %select_n3A : i32
    %min3A = arith.minsi %jit3A_42, %max3A : i32
    %scan3A_43 = arith.constant 0 : i32
    %scan3A_44 = arith.constant 0 : i32
    %scan3A_45 = arith.constant 2 : i32
    %scan3A_46 = arith.addi %scan3A_44, %scan3A_45 : i32
    %scan3A_47 = arith.constant 1 : i32
    scf.for %scan3A_55 = %scan3A_44 to %scan3A_46 step %scan3A_47  : i32 {
      %mul3A_56 = arith.constant 40 : i32
      %mul3A_57 = arith.muli %scan3A_55, %mul3A_56 : i32
      %sub3A_58 = arith.subi %min3A, %mul3A_57 : i32
      %jit3A_59 = arith.constant 0 : i32
      %jit3A_60 = arith.constant 40 : i32
      %max3A_61 = arith.maxsi %jit3A_59, %sub3A_58 : i32
      %min3A_62 = arith.minsi %jit3A_60, %max3A_61 : i32
      %jit3A_63 = arith.constant 2 : i32
      %div3A_64 = arith.divsi %min3A_62, %jit3A_63 : i32
      %sign3A_65 = arith.constant 0 : i32
      %sign3A_66 = arith.cmpi sgt, %min3A_62, %sign3A_65 : i32
      %sign3A_67 = arith.extui %sign3A_66 : i1 to i32
      %sign3A_68 = arith.constant 0 : i32
      %sign3A_69 = arith.cmpi slt, %min3A_62, %sign3A_68 : i32
      %sign3A_70 = arith.extui %sign3A_69 : i1 to i32
      %sign3A_71 = arith.subi %sign3A_67, %sign3A_70 : i32
      %sign3A_72 = arith.constant 0 : i32
      %sign3A_73 = arith.cmpi sgt, %jit3A_63, %sign3A_72 : i32
      %sign3A_74 = arith.extui %sign3A_73 : i1 to i32
      %sign3A_75 = arith.constant 0 : i32
      %sign3A_76 = arith.cmpi slt, %jit3A_63, %sign3A_75 : i32
      %sign3A_77 = arith.extui %sign3A_76 : i1 to i32
      %sign3A_78 = arith.subi %sign3A_74, %sign3A_77 : i32
      %ne3A_79 = arith.cmpi ne, %sign3A_71, %sign3A_78 : i32
      %rem3A_80 = arith.remsi %min3A_62, %jit3A_63 : i32
      %ne3A_81 = arith.constant 0 : i32
      %ne3A_82 = arith.cmpi ne, %rem3A_80, %ne3A_81 : i32
      %and3A_83 = arith.andi %ne3A_79, %ne3A_82 : i1
      %sub3A_84 = arith.constant 1 : i32
      %sub3A_85 = arith.subi %div3A_64, %sub3A_84 : i32
      %select_n3A_86 = arith.select %and3A_83, %sub3A_85, %div3A_64 : i32
      %eq3A_87 = arith.constant 40 : i32
      %eq3A_88 = arith.cmpi eq, %min3A_62, %eq3A_87 : i32
      %convert_element_type3A_89 = arith.extui %eq3A_88 : i1 to i32
      %cond3A_90 = arith.constant 0 : i32
      %cond3A_91 = arith.cmpi ne, %convert_element_type3A_89, %cond3A_90 : i32
      scf.if %cond3A_91 {
        %mul3A_103 = arith.constant 80 : i32
        %mul3A_104 = arith.muli %add3A, %mul3A_103 : i32
        %mul3A_105 = arith.constant 40 : i32
        %mul3A_106 = arith.muli %scan3A_55, %mul3A_105 : i32
        %add3A_107 = arith.addi %mul3A_104, %mul3A_106 : i32
        "tpu.region"() ({
          %run_scoped3A = tpu.sem_alloc : memref<!tpu.dma_semaphore, #tpu.memory_space<semaphore_mem>>
          %dma_start3A = arith.constant 0 : i32
          %dma_start3A_108 = arith.constant 0 : i32
          %dma_start3A_109 = tpu.memref_slice %arg3[%add3A_107, %dma_start3A, %dma_start3A_108] : memref<2500x2x128xi32, #tpu.memory_space<hbm>> -> memref<40x2x128xi32, #tpu.memory_space<hbm>>
          %dma_start3A_110 = arith.constant 0 : i32
          %dma_start3A_111 = arith.constant 0 : i32
          %dma_start3A_112 = tpu.memref_slice %arg3[%add3A_107, %dma_start3A_110, %dma_start3A_111] : memref<2500x2x128xi32, #tpu.memory_space<hbm>> -> memref<40x2x128xi32, #tpu.memory_space<hbm>>
          tpu.enqueue_dma source(%dma_start3A_112 : memref<40x2x128xi32, #tpu.memory_space<hbm>>) target(%arg5 : memref<40x2x128xi32, #tpu.memory_space<vmem>>) target_semaphore(%run_scoped3A : memref<!tpu.dma_semaphore, #tpu.memory_space<semaphore_mem>>)
          %dma_wait3A = arith.constant 0 : i32
          %dma_wait3A_113 = arith.constant 0 : i32
          %dma_wait3A_114 = tpu.memref_slice %arg3[%add3A_107, %dma_wait3A, %dma_wait3A_113] : memref<2500x2x128xi32, #tpu.memory_space<hbm>> -> memref<40x2x128xi32, #tpu.memory_space<hbm>>
          %dma_wait3A_115 = arith.constant 0 : i32
          %dma_wait3A_116 = arith.constant 0 : i32
          %dma_wait3A_117 = tpu.memref_slice %arg3[%add3A_107, %dma_wait3A_115, %dma_wait3A_116] : memref<2500x2x128xi32, #tpu.memory_space<hbm>> -> memref<40x2x128xi32, #tpu.memory_space<hbm>>
          tpu.wait_dma2 semaphore(%run_scoped3A : memref<!tpu.dma_semaphore, #tpu.memory_space<semaphore_mem>>) src(%dma_wait3A_117 : memref<40x2x128xi32, #tpu.memory_space<hbm>>) dst(%arg5 : memref<40x2x128xi32, #tpu.memory_space<vmem>>)
          tpu.yield
        }) : () -> ()
      } else {
      }
      %gt3A = arith.constant 0 : i32
      %gt3A_92 = arith.cmpi sgt, %min3A_62, %gt3A : i32
      %lt3A = arith.constant 40 : i32
      %lt3A_93 = arith.cmpi slt, %min3A_62, %lt3A : i32
      %and3A_94 = arith.andi %gt3A_92, %lt3A_93 : i1
      %convert_element_type3A_95 = arith.extui %and3A_94 : i1 to i32
      %cond3A_96 = arith.constant 0 : i32
      %cond3A_97 = arith.cmpi ne, %convert_element_type3A_95, %cond3A_96 : i32
      scf.if %cond3A_97 {
        %mul3A_103 = arith.constant 80 : i32
        %mul3A_104 = arith.muli %add3A, %mul3A_103 : i32
        %mul3A_105 = arith.constant 40 : i32
        %mul3A_106 = arith.muli %scan3A_55, %mul3A_105 : i32
        %add3A_107 = arith.addi %mul3A_104, %mul3A_106 : i32
        "tpu.region"() ({
          %run_scoped3A = tpu.sem_alloc : memref<!tpu.dma_semaphore, #tpu.memory_space<semaphore_mem>>
          %dma_start3A = arith.constant 0 : i32
          %dma_start3A_108 = arith.constant 0 : i32
          %dma_start3A_109 = arith.constant 0 : i32
          %dma_start3A_110 = tpu.memref_slice %arg5[%dma_start3A, %dma_start3A_108, %dma_start3A_109] : memref<40x2x128xi32, #tpu.memory_space<vmem>> -> memref<20x2x128xi32, #tpu.memory_space<vmem>>
          %dma_start3A_111 = arith.constant 0 : i32
          %dma_start3A_112 = arith.constant 0 : i32
          %dma_start3A_113 = tpu.memref_slice %arg3[%add3A_107, %dma_start3A_111, %dma_start3A_112] : memref<2500x2x128xi32, #tpu.memory_space<hbm>> -> memref<20x2x128xi32, #tpu.memory_space<hbm>>
          %dma_start3A_114 = arith.constant 0 : i32
          %dma_start3A_115 = arith.constant 0 : i32
          %dma_start3A_116 = arith.constant 0 : i32
          %dma_start3A_117 = tpu.memref_slice %arg5[%dma_start3A_114, %dma_start3A_115, %dma_start3A_116] : memref<40x2x128xi32, #tpu.memory_space<vmem>> -> memref<20x2x128xi32, #tpu.memory_space<vmem>>
          %dma_start3A_118 = arith.constant 0 : i32
          %dma_start3A_119 = arith.constant 0 : i32
          %dma_start3A_120 = tpu.memref_slice %arg3[%add3A_107, %dma_start3A_118, %dma_start3A_119] : memref<2500x2x128xi32, #tpu.memory_space<hbm>> -> memref<20x2x128xi32, #tpu.memory_space<hbm>>
          tpu.enqueue_dma source(%dma_start3A_120 : memref<20x2x128xi32, #tpu.memory_space<hbm>>) target(%dma_start3A_117 : memref<20x2x128xi32, #tpu.memory_space<vmem>>) target_semaphore(%run_scoped3A : memref<!tpu.dma_semaphore, #tpu.memory_space<semaphore_mem>>)
          %dma_wait3A = arith.constant 0 : i32
          %dma_wait3A_121 = arith.constant 0 : i32
          %dma_wait3A_122 = arith.constant 0 : i32
          %dma_wait3A_123 = tpu.memref_slice %arg5[%dma_wait3A, %dma_wait3A_121, %dma_wait3A_122] : memref<40x2x128xi32, #tpu.memory_space<vmem>> -> memref<20x2x128xi32, #tpu.memory_space<vmem>>
          %dma_wait3A_124 = arith.constant 0 : i32
          %dma_wait3A_125 = arith.constant 0 : i32
          %dma_wait3A_126 = tpu.memref_slice %arg3[%add3A_107, %dma_wait3A_124, %dma_wait3A_125] : memref<2500x2x128xi32, #tpu.memory_space<hbm>> -> memref<20x2x128xi32, #tpu.memory_space<hbm>>
          %dma_wait3A_127 = arith.constant 0 : i32
          %dma_wait3A_128 = arith.constant 0 : i32
          %dma_wait3A_129 = arith.constant 0 : i32
          %dma_wait3A_130 = tpu.memref_slice %arg5[%dma_wait3A_127, %dma_wait3A_128, %dma_wait3A_129] : memref<40x2x128xi32, #tpu.memory_space<vmem>> -> memref<20x2x128xi32, #tpu.memory_space<vmem>>
          %dma_wait3A_131 = arith.constant 0 : i32
          %dma_wait3A_132 = arith.constant 0 : i32
          %dma_wait3A_133 = tpu.memref_slice %arg3[%add3A_107, %dma_wait3A_131, %dma_wait3A_132] : memref<2500x2x128xi32, #tpu.memory_space<hbm>> -> memref<20x2x128xi32, #tpu.memory_space<hbm>>
          tpu.wait_dma2 semaphore(%run_scoped3A : memref<!tpu.dma_semaphore, #tpu.memory_space<semaphore_mem>>) src(%dma_wait3A_133 : memref<20x2x128xi32, #tpu.memory_space<hbm>>) dst(%dma_wait3A_130 : memref<20x2x128xi32, #tpu.memory_space<vmem>>)
          tpu.yield
        }) : () -> ()
      } else {
      }
      %gt3A_98 = arith.constant 0 : i32
      %gt3A_99 = arith.cmpi sgt, %min3A_62, %gt3A_98 : i32
      %convert_element_type3A_100 = arith.extui %gt3A_99 : i1 to i32
      %cond3A_101 = arith.constant 0 : i32
      %cond3A_102 = arith.cmpi ne, %convert_element_type3A_100, %cond3A_101 : i32
      scf.if %cond3A_102 {
        %dma_start3A = arith.constant 0 : i32
        %dma_start3A_103 = arith.constant 1 : i32
        %dma_start3A_104 = arith.constant 0 : i32
        %dma_start3A_105 = tpu.memref_slice %arg5[%dma_start3A, %dma_start3A_103, %dma_start3A_104] : memref<40x2x128xi32, #tpu.memory_space<vmem>> -> memref<1x1x128xi32, #tpu.memory_space<vmem>>
        %dma_start3A_106 = tpu.memref_squeeze %dma_start3A_105 : memref<1x1x128xi32, #tpu.memory_space<vmem>> -> memref<128xi32, #tpu.memory_space<vmem>>
        %dma_start3A_107 = arith.constant 0 : i32
        %dma_start3A_108 = arith.constant 0 : i32
        %dma_start3A_109 = tpu.memref_slice %arg2[%dma_start3A_107, %dma_start3A_108] : memref<10000x128xf32, #tpu.memory_space<hbm>> -> memref<10000x128xf32, #tpu.memory_space<hbm>>
        tpu.enqueue_indirect_dma source(%dma_start3A_109 : memref<10000x128xf32, #tpu.memory_space<hbm>>) target(%arg6 : memref<128x128xf32, #tpu.memory_space<vmem>>) offsets(%dma_start3A_106 : memref<128xi32, #tpu.memory_space<vmem>>) semaphore(%arg9 : memref<!tpu.dma_semaphore, #tpu.memory_space<semaphore_mem>>)
        %while3A = arith.constant 0 : i32
        %while3A_110 = arith.constant 0 : i32
        %while3A_111 = arith.subi %select_n3A_86, %while3A_110 : i32
        %while3A_112 = arith.addi %while3A_110, %while3A_111 : i32
        %while3A_113 = arith.constant 1 : i32
        %while3A_114 = arith.divsi %while3A_111, %while3A_113 : i32
        %while3A_115 = arith.muli %while3A_114, %while3A_113 : i32
        %while3A_116 = arith.addi %while3A_110, %while3A_115 : i32
        %while3A_117 = arith.constant 1 : i32
        scf.for %while3A_119 = %while3A_110 to %while3A_116 step %while3A_117  : i32 {
          %mul3A_120 = arith.constant 2 : i32
          %mul3A_121 = arith.muli %mul3A_120, %while3A_119 : i32
          %add3A_122 = arith.constant 1 : i32
          %add3A_123 = arith.addi %mul3A_121, %add3A_122 : i32
          %dma_start3A_124 = arith.constant 1 : i32
          %dma_start3A_125 = arith.constant 0 : i32
          %dma_start3A_126 = tpu.memref_slice %arg5[%add3A_123, %dma_start3A_124, %dma_start3A_125] : memref<40x2x128xi32, #tpu.memory_space<vmem>> -> memref<1x1x128xi32, #tpu.memory_space<vmem>>
          %dma_start3A_127 = tpu.memref_squeeze %dma_start3A_126 : memref<1x1x128xi32, #tpu.memory_space<vmem>> -> memref<128xi32, #tpu.memory_space<vmem>>
          %dma_start3A_128 = arith.constant 0 : i32
          %dma_start3A_129 = arith.constant 0 : i32
          %dma_start3A_130 = tpu.memref_slice %arg2[%dma_start3A_128, %dma_start3A_129] : memref<10000x128xf32, #tpu.memory_space<hbm>> -> memref<10000x128xf32, #tpu.memory_space<hbm>>
          tpu.enqueue_indirect_dma source(%dma_start3A_130 : memref<10000x128xf32, #tpu.memory_space<hbm>>) target(%arg7 : memref<128x128xf32, #tpu.memory_space<vmem>>) offsets(%dma_start3A_127 : memref<128xi32, #tpu.memory_space<vmem>>) semaphore(%arg10 : memref<!tpu.dma_semaphore, #tpu.memory_space<semaphore_mem>>)
          %dma_wait3A = arith.constant 1 : i32
          %dma_wait3A_131 = arith.constant 0 : i32
          %dma_wait3A_132 = tpu.memref_slice %arg5[%mul3A_121, %dma_wait3A, %dma_wait3A_131] : memref<40x2x128xi32, #tpu.memory_space<vmem>> -> memref<1x1x128xi32, #tpu.memory_space<vmem>>
          %dma_wait3A_133 = tpu.memref_squeeze %dma_wait3A_132 : memref<1x1x128xi32, #tpu.memory_space<vmem>> -> memref<128xi32, #tpu.memory_space<vmem>>
          %dma_wait3A_134 = arith.constant 0 : i32
          %dma_wait3A_135 = arith.constant 0 : i32
          %dma_wait3A_136 = tpu.memref_slice %arg2[%dma_wait3A_134, %dma_wait3A_135] : memref<10000x128xf32, #tpu.memory_space<hbm>> -> memref<10000x128xf32, #tpu.memory_space<hbm>>
          tpu.wait_indirect_dma semaphore(%arg9 : memref<!tpu.dma_semaphore, #tpu.memory_space<semaphore_mem>>) src(%dma_wait3A_136 : memref<10000x128xf32, #tpu.memory_space<hbm>>) dst(%arg6 : memref<128x128xf32, #tpu.memory_space<vmem>>)
          %run_scoped3A = arith.constant 0 : i32
          "tpu.region"() ({
            %run_scoped3A_151 = tpu.sem_alloc : memref<!tpu.dma_semaphore, #tpu.memory_space<semaphore_mem>>
            %dma_start3A_152 = arith.constant 0 : i32
            %dma_start3A_153 = tpu.memref_slice %arg5[%mul3A_121, %run_scoped3A, %dma_start3A_152] : memref<40x2x128xi32, #tpu.memory_space<vmem>> -> memref<1x1x128xi32, #tpu.memory_space<vmem>>
            %dma_start3A_154 = tpu.memref_squeeze %dma_start3A_153 : memref<1x1x128xi32, #tpu.memory_space<vmem>> -> memref<128xi32, #tpu.memory_space<vmem>>
            %dma_start3A_155 = arith.constant 0 : i32
            %dma_start3A_156 = arith.constant 0 : i32
            %dma_start3A_157 = tpu.memref_slice %arg8[%dma_start3A_155, %dma_start3A_156] : memref<10000x128xf32, #tpu.memory_space<vmem_shared>> -> memref<10000x128xf32, #tpu.memory_space<vmem_shared>>
            tpu.enqueue_indirect_dma source(%arg6 : memref<128x128xf32, #tpu.memory_space<vmem>>) target(%dma_start3A_157 : memref<10000x128xf32, #tpu.memory_space<vmem_shared>>) offsets(%dma_start3A_154 : memref<128xi32, #tpu.memory_space<vmem>>) semaphore(%run_scoped3A_151 : memref<!tpu.dma_semaphore, #tpu.memory_space<semaphore_mem>>) {add = true}
            %dma_wait3A_158 = arith.constant 0 : i32
            %dma_wait3A_159 = tpu.memref_slice %arg5[%mul3A_121, %run_scoped3A, %dma_wait3A_158] : memref<40x2x128xi32, #tpu.memory_space<vmem>> -> memref<1x1x128xi32, #tpu.memory_space<vmem>>
            %dma_wait3A_160 = tpu.memref_squeeze %dma_wait3A_159 : memref<1x1x128xi32, #tpu.memory_space<vmem>> -> memref<128xi32, #tpu.memory_space<vmem>>
            %dma_wait3A_161 = arith.constant 0 : i32
            %dma_wait3A_162 = arith.constant 0 : i32
            %dma_wait3A_163 = tpu.memref_slice %arg8[%dma_wait3A_161, %dma_wait3A_162] : memref<10000x128xf32, #tpu.memory_space<vmem_shared>> -> memref<10000x128xf32, #tpu.memory_space<vmem_shared>>
            tpu.wait_indirect_dma semaphore(%run_scoped3A_151 : memref<!tpu.dma_semaphore, #tpu.memory_space<semaphore_mem>>) src(%arg6 : memref<128x128xf32, #tpu.memory_space<vmem>>) dst(%dma_wait3A_163 : memref<10000x128xf32, #tpu.memory_space<vmem_shared>>)
            tpu.yield
          }) : () -> ()
          %sub3A_137 = arith.constant 1 : i32
          %sub3A_138 = arith.subi %select_n3A_86, %sub3A_137 : i32
          %lt3A_139 = arith.cmpi slt, %while3A_119, %sub3A_138 : i32
          %convert_element_type3A_140 = arith.extui %lt3A_139 : i1 to i32
          %cond3A_141 = arith.constant 0 : i32
          %cond3A_142 = arith.cmpi ne, %convert_element_type3A_140, %cond3A_141 : i32
          scf.if %cond3A_142 {
            %add3A_151 = arith.constant 1 : i32
            %add3A_152 = arith.addi %add3A_123, %add3A_151 : i32
            %dma_start3A_153 = arith.constant 1 : i32
            %dma_start3A_154 = arith.constant 0 : i32
            %dma_start3A_155 = tpu.memref_slice %arg5[%add3A_152, %dma_start3A_153, %dma_start3A_154] : memref<40x2x128xi32, #tpu.memory_space<vmem>> -> memref<1x1x128xi32, #tpu.memory_space<vmem>>
            %dma_start3A_156 = tpu.memref_squeeze %dma_start3A_155 : memref<1x1x128xi32, #tpu.memory_space<vmem>> -> memref<128xi32, #tpu.memory_space<vmem>>
            %dma_start3A_157 = arith.constant 0 : i32
            %dma_start3A_158 = arith.constant 0 : i32
            %dma_start3A_159 = tpu.memref_slice %arg2[%dma_start3A_157, %dma_start3A_158] : memref<10000x128xf32, #tpu.memory_space<hbm>> -> memref<10000x128xf32, #tpu.memory_space<hbm>>
            tpu.enqueue_indirect_dma source(%dma_start3A_159 : memref<10000x128xf32, #tpu.memory_space<hbm>>) target(%arg6 : memref<128x128xf32, #tpu.memory_space<vmem>>) offsets(%dma_start3A_156 : memref<128xi32, #tpu.memory_space<vmem>>) semaphore(%arg9 : memref<!tpu.dma_semaphore, #tpu.memory_space<semaphore_mem>>)
          } else {
          }
          %dma_wait3A_143 = arith.constant 1 : i32
          %dma_wait3A_144 = arith.constant 0 : i32
          %dma_wait3A_145 = tpu.memref_slice %arg5[%add3A_123, %dma_wait3A_143, %dma_wait3A_144] : memref<40x2x128xi32, #tpu.memory_space<vmem>> -> memref<1x1x128xi32, #tpu.memory_space<vmem>>
          %dma_wait3A_146 = tpu.memref_squeeze %dma_wait3A_145 : memref<1x1x128xi32, #tpu.memory_space<vmem>> -> memref<128xi32, #tpu.memory_space<vmem>>
          %dma_wait3A_147 = arith.constant 0 : i32
          %dma_wait3A_148 = arith.constant 0 : i32
          %dma_wait3A_149 = tpu.memref_slice %arg2[%dma_wait3A_147, %dma_wait3A_148] : memref<10000x128xf32, #tpu.memory_space<hbm>> -> memref<10000x128xf32, #tpu.memory_space<hbm>>
          tpu.wait_indirect_dma semaphore(%arg10 : memref<!tpu.dma_semaphore, #tpu.memory_space<semaphore_mem>>) src(%dma_wait3A_149 : memref<10000x128xf32, #tpu.memory_space<hbm>>) dst(%arg7 : memref<128x128xf32, #tpu.memory_space<vmem>>)
          %run_scoped3A_150 = arith.constant 0 : i32
          "tpu.region"() ({
            %run_scoped3A_151 = tpu.sem_alloc : memref<!tpu.dma_semaphore, #tpu.memory_space<semaphore_mem>>
            %dma_start3A_152 = arith.constant 0 : i32
            %dma_start3A_153 = tpu.memref_slice %arg5[%add3A_123, %run_scoped3A_150, %dma_start3A_152] : memref<40x2x128xi32, #tpu.memory_space<vmem>> -> memref<1x1x128xi32, #tpu.memory_space<vmem>>
            %dma_start3A_154 = tpu.memref_squeeze %dma_start3A_153 : memref<1x1x128xi32, #tpu.memory_space<vmem>> -> memref<128xi32, #tpu.memory_space<vmem>>
            %dma_start3A_155 = arith.constant 0 : i32
            %dma_start3A_156 = arith.constant 0 : i32
            %dma_start3A_157 = tpu.memref_slice %arg8[%dma_start3A_155, %dma_start3A_156] : memref<10000x128xf32, #tpu.memory_space<vmem_shared>> -> memref<10000x128xf32, #tpu.memory_space<vmem_shared>>
            tpu.enqueue_indirect_dma source(%arg7 : memref<128x128xf32, #tpu.memory_space<vmem>>) target(%dma_start3A_157 : memref<10000x128xf32, #tpu.memory_space<vmem_shared>>) offsets(%dma_start3A_154 : memref<128xi32, #tpu.memory_space<vmem>>) semaphore(%run_scoped3A_151 : memref<!tpu.dma_semaphore, #tpu.memory_space<semaphore_mem>>) {add = true}
            %dma_wait3A_158 = arith.constant 0 : i32
            %dma_wait3A_159 = tpu.memref_slice %arg5[%add3A_123, %run_scoped3A_150, %dma_wait3A_158] : memref<40x2x128xi32, #tpu.memory_space<vmem>> -> memref<1x1x128xi32, #tpu.memory_space<vmem>>
            %dma_wait3A_160 = tpu.memref_squeeze %dma_wait3A_159 : memref<1x1x128xi32, #tpu.memory_space<vmem>> -> memref<128xi32, #tpu.memory_space<vmem>>
            %dma_wait3A_161 = arith.constant 0 : i32
            %dma_wait3A_162 = arith.constant 0 : i32
            %dma_wait3A_163 = tpu.memref_slice %arg8[%dma_wait3A_161, %dma_wait3A_162] : memref<10000x128xf32, #tpu.memory_space<vmem_shared>> -> memref<10000x128xf32, #tpu.memory_space<vmem_shared>>
            tpu.wait_indirect_dma semaphore(%run_scoped3A_151 : memref<!tpu.dma_semaphore, #tpu.memory_space<semaphore_mem>>) src(%arg7 : memref<128x128xf32, #tpu.memory_space<vmem>>) dst(%dma_wait3A_163 : memref<10000x128xf32, #tpu.memory_space<vmem_shared>>)
            tpu.yield
          }) : () -> ()
        }
        %while3A_118 = arith.constant 1 : i32
        scf.for %while3A_119 = %while3A_116 to %while3A_112 step %while3A_118  : i32 {
          %mul3A_120 = arith.constant 2 : i32
          %mul3A_121 = arith.muli %mul3A_120, %while3A_119 : i32
          %add3A_122 = arith.constant 1 : i32
          %add3A_123 = arith.addi %mul3A_121, %add3A_122 : i32
          %dma_start3A_124 = arith.constant 1 : i32
          %dma_start3A_125 = arith.constant 0 : i32
          %dma_start3A_126 = tpu.memref_slice %arg5[%add3A_123, %dma_start3A_124, %dma_start3A_125] : memref<40x2x128xi32, #tpu.memory_space<vmem>> -> memref<1x1x128xi32, #tpu.memory_space<vmem>>
          %dma_start3A_127 = tpu.memref_squeeze %dma_start3A_126 : memref<1x1x128xi32, #tpu.memory_space<vmem>> -> memref<128xi32, #tpu.memory_space<vmem>>
          %dma_start3A_128 = arith.constant 0 : i32
          %dma_start3A_129 = arith.constant 0 : i32
          %dma_start3A_130 = tpu.memref_slice %arg2[%dma_start3A_128, %dma_start3A_129] : memref<10000x128xf32, #tpu.memory_space<hbm>> -> memref<10000x128xf32, #tpu.memory_space<hbm>>
          tpu.enqueue_indirect_dma source(%dma_start3A_130 : memref<10000x128xf32, #tpu.memory_space<hbm>>) target(%arg7 : memref<128x128xf32, #tpu.memory_space<vmem>>) offsets(%dma_start3A_127 : memref<128xi32, #tpu.memory_space<vmem>>) semaphore(%arg10 : memref<!tpu.dma_semaphore, #tpu.memory_space<semaphore_mem>>)
          %dma_wait3A = arith.constant 1 : i32
          %dma_wait3A_131 = arith.constant 0 : i32
          %dma_wait3A_132 = tpu.memref_slice %arg5[%mul3A_121, %dma_wait3A, %dma_wait3A_131] : memref<40x2x128xi32, #tpu.memory_space<vmem>> -> memref<1x1x128xi32, #tpu.memory_space<vmem>>
          %dma_wait3A_133 = tpu.memref_squeeze %dma_wait3A_132 : memref<1x1x128xi32, #tpu.memory_space<vmem>> -> memref<128xi32, #tpu.memory_space<vmem>>
          %dma_wait3A_134 = arith.constant 0 : i32
          %dma_wait3A_135 = arith.constant 0 : i32
          %dma_wait3A_136 = tpu.memref_slice %arg2[%dma_wait3A_134, %dma_wait3A_135] : memref<10000x128xf32, #tpu.memory_space<hbm>> -> memref<10000x128xf32, #tpu.memory_space<hbm>>
          tpu.wait_indirect_dma semaphore(%arg9 : memref<!tpu.dma_semaphore, #tpu.memory_space<semaphore_mem>>) src(%dma_wait3A_136 : memref<10000x128xf32, #tpu.memory_space<hbm>>) dst(%arg6 : memref<128x128xf32, #tpu.memory_space<vmem>>)
          %run_scoped3A = arith.constant 0 : i32
          "tpu.region"() ({
            %run_scoped3A_151 = tpu.sem_alloc : memref<!tpu.dma_semaphore, #tpu.memory_space<semaphore_mem>>
            %dma_start3A_152 = arith.constant 0 : i32
            %dma_start3A_153 = tpu.memref_slice %arg5[%mul3A_121, %run_scoped3A, %dma_start3A_152] : memref<40x2x128xi32, #tpu.memory_space<vmem>> -> memref<1x1x128xi32, #tpu.memory_space<vmem>>
            %dma_start3A_154 = tpu.memref_squeeze %dma_start3A_153 : memref<1x1x128xi32, #tpu.memory_space<vmem>> -> memref<128xi32, #tpu.memory_space<vmem>>
            %dma_start3A_155 = arith.constant 0 : i32
            %dma_start3A_156 = arith.constant 0 : i32
            %dma_start3A_157 = tpu.memref_slice %arg8[%dma_start3A_155, %dma_start3A_156] : memref<10000x128xf32, #tpu.memory_space<vmem_shared>> -> memref<10000x128xf32, #tpu.memory_space<vmem_shared>>
            tpu.enqueue_indirect_dma source(%arg6 : memref<128x128xf32, #tpu.memory_space<vmem>>) target(%dma_start3A_157 : memref<10000x128xf32, #tpu.memory_space<vmem_shared>>) offsets(%dma_start3A_154 : memref<128xi32, #tpu.memory_space<vmem>>) semaphore(%run_scoped3A_151 : memref<!tpu.dma_semaphore, #tpu.memory_space<semaphore_mem>>) {add = true}
            %dma_wait3A_158 = arith.constant 0 : i32
            %dma_wait3A_159 = tpu.memref_slice %arg5[%mul3A_121, %run_scoped3A, %dma_wait3A_158] : memref<40x2x128xi32, #tpu.memory_space<vmem>> -> memref<1x1x128xi32, #tpu.memory_space<vmem>>
            %dma_wait3A_160 = tpu.memref_squeeze %dma_wait3A_159 : memref<1x1x128xi32, #tpu.memory_space<vmem>> -> memref<128xi32, #tpu.memory_space<vmem>>
            %dma_wait3A_161 = arith.constant 0 : i32
            %dma_wait3A_162 = arith.constant 0 : i32
            %dma_wait3A_163 = tpu.memref_slice %arg8[%dma_wait3A_161, %dma_wait3A_162] : memref<10000x128xf32, #tpu.memory_space<vmem_shared>> -> memref<10000x128xf32, #tpu.memory_space<vmem_shared>>
            tpu.wait_indirect_dma semaphore(%run_scoped3A_151 : memref<!tpu.dma_semaphore, #tpu.memory_space<semaphore_mem>>) src(%arg6 : memref<128x128xf32, #tpu.memory_space<vmem>>) dst(%dma_wait3A_163 : memref<10000x128xf32, #tpu.memory_space<vmem_shared>>)
            tpu.yield
          }) : () -> ()
          %sub3A_137 = arith.constant 1 : i32
          %sub3A_138 = arith.subi %select_n3A_86, %sub3A_137 : i32
          %lt3A_139 = arith.cmpi slt, %while3A_119, %sub3A_138 : i32
          %convert_element_type3A_140 = arith.extui %lt3A_139 : i1 to i32
          %cond3A_141 = arith.constant 0 : i32
          %cond3A_142 = arith.cmpi ne, %convert_element_type3A_140, %cond3A_141 : i32
          scf.if %cond3A_142 {
            %add3A_151 = arith.constant 1 : i32
            %add3A_152 = arith.addi %add3A_123, %add3A_151 : i32
            %dma_start3A_153 = arith.constant 1 : i32
            %dma_start3A_154 = arith.constant 0 : i32
            %dma_start3A_155 = tpu.memref_slice %arg5[%add3A_152, %dma_start3A_153, %dma_start3A_154] : memref<40x2x128xi32, #tpu.memory_space<vmem>> -> memref<1x1x128xi32, #tpu.memory_space<vmem>>
            %dma_start3A_156 = tpu.memref_squeeze %dma_start3A_155 : memref<1x1x128xi32, #tpu.memory_space<vmem>> -> memref<128xi32, #tpu.memory_space<vmem>>
            %dma_start3A_157 = arith.constant 0 : i32
            %dma_start3A_158 = arith.constant 0 : i32
            %dma_start3A_159 = tpu.memref_slice %arg2[%dma_start3A_157, %dma_start3A_158] : memref<10000x128xf32, #tpu.memory_space<hbm>> -> memref<10000x128xf32, #tpu.memory_space<hbm>>
            tpu.enqueue_indirect_dma source(%dma_start3A_159 : memref<10000x128xf32, #tpu.memory_space<hbm>>) target(%arg6 : memref<128x128xf32, #tpu.memory_space<vmem>>) offsets(%dma_start3A_156 : memref<128xi32, #tpu.memory_space<vmem>>) semaphore(%arg9 : memref<!tpu.dma_semaphore, #tpu.memory_space<semaphore_mem>>)
          } else {
          }
          %dma_wait3A_143 = arith.constant 1 : i32
          %dma_wait3A_144 = arith.constant 0 : i32
          %dma_wait3A_145 = tpu.memref_slice %arg5[%add3A_123, %dma_wait3A_143, %dma_wait3A_144] : memref<40x2x128xi32, #tpu.memory_space<vmem>> -> memref<1x1x128xi32, #tpu.memory_space<vmem>>
          %dma_wait3A_146 = tpu.memref_squeeze %dma_wait3A_145 : memref<1x1x128xi32, #tpu.memory_space<vmem>> -> memref<128xi32, #tpu.memory_space<vmem>>
          %dma_wait3A_147 = arith.constant 0 : i32
          %dma_wait3A_148 = arith.constant 0 : i32
          %dma_wait3A_149 = tpu.memref_slice %arg2[%dma_wait3A_147, %dma_wait3A_148] : memref<10000x128xf32, #tpu.memory_space<hbm>> -> memref<10000x128xf32, #tpu.memory_space<hbm>>
          tpu.wait_indirect_dma semaphore(%arg10 : memref<!tpu.dma_semaphore, #tpu.memory_space<semaphore_mem>>) src(%dma_wait3A_149 : memref<10000x128xf32, #tpu.memory_space<hbm>>) dst(%arg7 : memref<128x128xf32, #tpu.memory_space<vmem>>)
          %run_scoped3A_150 = arith.constant 0 : i32
          "tpu.region"() ({
            %run_scoped3A_151 = tpu.sem_alloc : memref<!tpu.dma_semaphore, #tpu.memory_space<semaphore_mem>>
            %dma_start3A_152 = arith.constant 0 : i32
            %dma_start3A_153 = tpu.memref_slice %arg5[%add3A_123, %run_scoped3A_150, %dma_start3A_152] : memref<40x2x128xi32, #tpu.memory_space<vmem>> -> memref<1x1x128xi32, #tpu.memory_space<vmem>>
            %dma_start3A_154 = tpu.memref_squeeze %dma_start3A_153 : memref<1x1x128xi32, #tpu.memory_space<vmem>> -> memref<128xi32, #tpu.memory_space<vmem>>
            %dma_start3A_155 = arith.constant 0 : i32
            %dma_start3A_156 = arith.constant 0 : i32
            %dma_start3A_157 = tpu.memref_slice %arg8[%dma_start3A_155, %dma_start3A_156] : memref<10000x128xf32, #tpu.memory_space<vmem_shared>> -> memref<10000x128xf32, #tpu.memory_space<vmem_shared>>
            tpu.enqueue_indirect_dma source(%arg7 : memref<128x128xf32, #tpu.memory_space<vmem>>) target(%dma_start3A_157 : memref<10000x128xf32, #tpu.memory_space<vmem_shared>>) offsets(%dma_start3A_154 : memref<128xi32, #tpu.memory_space<vmem>>) semaphore(%run_scoped3A_151 : memref<!tpu.dma_semaphore, #tpu.memory_space<semaphore_mem>>) {add = true}
            %dma_wait3A_158 = arith.constant 0 : i32
            %dma_wait3A_159 = tpu.memref_slice %arg5[%add3A_123, %run_scoped3A_150, %dma_wait3A_158] : memref<40x2x128xi32, #tpu.memory_space<vmem>> -> memref<1x1x128xi32, #tpu.memory_space<vmem>>
            %dma_wait3A_160 = tpu.memref_squeeze %dma_wait3A_159 : memref<1x1x128xi32, #tpu.memory_space<vmem>> -> memref<128xi32, #tpu.memory_space<vmem>>
            %dma_wait3A_161 = arith.constant 0 : i32
            %dma_wait3A_162 = arith.constant 0 : i32
            %dma_wait3A_163 = tpu.memref_slice %arg8[%dma_wait3A_161, %dma_wait3A_162] : memref<10000x128xf32, #tpu.memory_space<vmem_shared>> -> memref<10000x128xf32, #tpu.memory_space<vmem_shared>>
            tpu.wait_indirect_dma semaphore(%run_scoped3A_151 : memref<!tpu.dma_semaphore, #tpu.memory_space<semaphore_mem>>) src(%arg7 : memref<128x128xf32, #tpu.memory_space<vmem>>) dst(%dma_wait3A_163 : memref<10000x128xf32, #tpu.memory_space<vmem_shared>>)
            tpu.yield
          }) : () -> ()
        }
      } else {
      }
    }
    %scan3A_48 = arith.constant 2 : i32
    %barrier3A_49 = arith.constant 0 : index
    tpu.barrier barrier_id(%barrier3A_49)
    "tpu.region"() ({
      %run_scoped3A = tpu.sem_alloc : memref<!tpu.dma_semaphore, #tpu.memory_space<semaphore_mem>>
      %dma_start3A = arith.constant 0 : i32
      %dma_start3A_55 = tpu.memref_slice %arg4[%arg0, %mul3A_8, %dma_start3A] : memref<2x10000x128xf32, #tpu.memory_space<hbm>> -> memref<1x624x128xf32, #tpu.memory_space<hbm>>
      %dma_start3A_56 = tpu.memref_squeeze %dma_start3A_55 : memref<1x624x128xf32, #tpu.memory_space<hbm>> -> memref<624x128xf32, #tpu.memory_space<hbm>>
      %dma_start3A_57 = arith.constant 0 : i32
      %dma_start3A_58 = tpu.memref_slice %arg8[%mul3A_8, %dma_start3A_57] : memref<10000x128xf32, #tpu.memory_space<vmem_shared>> -> memref<624x128xf32, #tpu.memory_space<vmem_shared>>
      tpu.enqueue_dma source(%dma_start3A_58 : memref<624x128xf32, #tpu.memory_space<vmem_shared>>) target(%dma_start3A_56 : memref<624x128xf32, #tpu.memory_space<hbm>>) target_semaphore(%run_scoped3A : memref<!tpu.dma_semaphore, #tpu.memory_space<semaphore_mem>>)
      %dma_wait3A = arith.constant 0 : i32
      %dma_wait3A_59 = tpu.memref_slice %arg4[%arg0, %mul3A_8, %dma_wait3A] : memref<2x10000x128xf32, #tpu.memory_space<hbm>> -> memref<1x624x128xf32, #tpu.memory_space<hbm>>
      %dma_wait3A_60 = tpu.memref_squeeze %dma_wait3A_59 : memref<1x624x128xf32, #tpu.memory_space<hbm>> -> memref<624x128xf32, #tpu.memory_space<hbm>>
      %dma_wait3A_61 = arith.constant 0 : i32
      %dma_wait3A_62 = tpu.memref_slice %arg8[%mul3A_8, %dma_wait3A_61] : memref<10000x128xf32, #tpu.memory_space<vmem_shared>> -> memref<624x128xf32, #tpu.memory_space<vmem_shared>>
      tpu.wait_dma2 semaphore(%run_scoped3A : memref<!tpu.dma_semaphore, #tpu.memory_space<semaphore_mem>>) src(%dma_wait3A_62 : memref<624x128xf32, #tpu.memory_space<vmem_shared>>) dst(%dma_wait3A_60 : memref<624x128xf32, #tpu.memory_space<hbm>>)
      tpu.yield
    }) : () -> ()
    %eq3A_50 = arith.constant 15 : i32
    %eq3A_51 = arith.cmpi eq, %arg1, %eq3A_50 : i32
    %convert_element_type3A_52 = arith.extui %eq3A_51 : i1 to i32
    %cond3A_53 = arith.constant 0 : i32
    %cond3A_54 = arith.cmpi ne, %convert_element_type3A_52, %cond3A_53 : i32
    scf.if %cond3A_54 {
      "tpu.region"() ({
        %run_scoped3A = tpu.sem_alloc : memref<!tpu.dma_semaphore, #tpu.memory_space<semaphore_mem>>
        %dma_start3A = arith.constant 9984 : i32
        %dma_start3A_55 = arith.constant 0 : i32
        %dma_start3A_56 = tpu.memref_slice %arg4[%arg0, %dma_start3A, %dma_start3A_55] : memref<2x10000x128xf32, #tpu.memory_space<hbm>> -> memref<1x16x128xf32, #tpu.memory_space<hbm>>
        %dma_start3A_57 = tpu.memref_squeeze %dma_start3A_56 : memref<1x16x128xf32, #tpu.memory_space<hbm>> -> memref<16x128xf32, #tpu.memory_space<hbm>>
        %dma_start3A_58 = arith.constant 9984 : i32
        %dma_start3A_59 = arith.constant 0 : i32
        %dma_start3A_60 = tpu.memref_slice %arg8[%dma_start3A_58, %dma_start3A_59] : memref<10000x128xf32, #tpu.memory_space<vmem_shared>> -> memref<16x128xf32, #tpu.memory_space<vmem_shared>>
        tpu.enqueue_dma source(%dma_start3A_60 : memref<16x128xf32, #tpu.memory_space<vmem_shared>>) target(%dma_start3A_57 : memref<16x128xf32, #tpu.memory_space<hbm>>) target_semaphore(%run_scoped3A : memref<!tpu.dma_semaphore, #tpu.memory_space<semaphore_mem>>)
        %dma_wait3A = arith.constant 9984 : i32
        %dma_wait3A_61 = arith.constant 0 : i32
        %dma_wait3A_62 = tpu.memref_slice %arg4[%arg0, %dma_wait3A, %dma_wait3A_61] : memref<2x10000x128xf32, #tpu.memory_space<hbm>> -> memref<1x16x128xf32, #tpu.memory_space<hbm>>
        %dma_wait3A_63 = tpu.memref_squeeze %dma_wait3A_62 : memref<1x16x128xf32, #tpu.memory_space<hbm>> -> memref<16x128xf32, #tpu.memory_space<hbm>>
        %dma_wait3A_64 = arith.constant 9984 : i32
        %dma_wait3A_65 = arith.constant 0 : i32
        %dma_wait3A_66 = tpu.memref_slice %arg8[%dma_wait3A_64, %dma_wait3A_65] : memref<10000x128xf32, #tpu.memory_space<vmem_shared>> -> memref<16x128xf32, #tpu.memory_space<vmem_shared>>
        tpu.wait_dma2 semaphore(%run_scoped3A : memref<!tpu.dma_semaphore, #tpu.memory_space<semaphore_mem>>) src(%dma_wait3A_66 : memref<16x128xf32, #tpu.memory_space<vmem_shared>>) dst(%dma_wait3A_63 : memref<16x128xf32, #tpu.memory_space<hbm>>)
        tpu.yield
      }) : () -> ()
    } else {
    }
    return
  }
}

module attributes {stable_mosaic.version = 14 : i64} {
  func.func @body(%arg0: i32, %arg1: memref<2x5000x128xf32, #tpu.memory_space<vmem>>, %arg2: memref<128x128xf32, #tpu.memory_space<vmem>>, %arg3: memref<5000x128xf32, #tpu.memory_space<vmem>>) attributes {dimension_semantics = [#tpu.dimension_semantics<arbitrary>], iteration_bounds = array<i64: 2>, scalar_prefetch = 0 : i64, scratch_operands = 0 : i64, tpu.core_type = #tpu.core_type<tc>, window_params = [{transform_indices = @transform_0, window_bounds = array<i64: 2, 5000, 128>}, {pipeline_mode = #tpu.pipeline_mode<synchronous>, transform_indices = @transform_1, window_bounds = array<i64: 128, 128>}, {transform_indices = @transform_2, window_bounds = array<i64: 5000, 128>}]} {
    %get3A = arith.constant 0 : index
    %get3A_0 = arith.constant 0 : index
    %get3A_1 = arith.constant 0 : index
    %get3A_2 = vector.load %arg1[%get3A, %get3A_0, %get3A_1] : memref<2x5000x128xf32, #tpu.memory_space<vmem>>, vector<1x5000x128xf32>
    %get3A_3 = vector.shape_cast %get3A_2 : vector<1x5000x128xf32> to vector<5000x128xf32>
    %get3A_4 = arith.constant 1 : index
    %get3A_5 = arith.constant 0 : index
    %get3A_6 = arith.constant 0 : index
    %get3A_7 = vector.load %arg1[%get3A_4, %get3A_5, %get3A_6] : memref<2x5000x128xf32, #tpu.memory_space<vmem>>, vector<1x5000x128xf32>
    %get3A_8 = vector.shape_cast %get3A_7 : vector<1x5000x128xf32> to vector<5000x128xf32>
    %add3A = arith.addf %get3A_3, %get3A_8 : vector<5000x128xf32>
    %get3A_9 = arith.constant 0 : index
    %get3A_10 = arith.constant 0 : index
    %get3A_11 = vector.load %arg2[%get3A_9, %get3A_10] : memref<128x128xf32, #tpu.memory_space<vmem>>, vector<128x128xf32>
    %dot_general3A = arith.constant dense<0.000000e+00> : vector<5000x128xf32>
    %dot_general3A_12 = tpu.matmul %add3A, %get3A_11, %dot_general3A {dimension_numbers = #tpu.dot_dimension_numbers<[1], [1], [0], [0], [0, 0, 1, 0], [], []>, transpose_lhs_hint = false} : vector<5000x128xf32>, vector<128x128xf32>, vector<5000x128xf32> -> vector<5000x128xf32>
    %swap3A = arith.constant 0 : index
    %swap3A_13 = arith.constant 0 : index
    %swap3A_14 = vector.load %arg3[%swap3A, %swap3A_13] : memref<5000x128xf32, #tpu.memory_space<vmem>>, vector<5000x128xf32>
    tpu.vector_store %arg3[%swap3A, %swap3A_13], %dot_general3A_12 {strides = array<i32>} : memref<5000x128xf32, #tpu.memory_space<vmem>>, vector<5000x128xf32>,
    return
  }
  func.func @transform_0(%arg0: i32) -> (i32, i32, i32) {
    %c0_i32 = arith.constant 0 : i32
    %c0_i32_0 = arith.constant 0 : i32
    %c0_i32_1 = arith.constant 0 : i32
    return %c0_i32, %arg0, %c0_i32_0 : i32, i32, i32
  }
  func.func @transform_1(%arg0: i32) -> (i32, i32) {
    %c0_i32 = arith.constant 0 : i32
    %c0_i32_0 = arith.constant 0 : i32
    %c0_i32_1 = arith.constant 0 : i32
    return %c0_i32, %c0_i32_0 : i32, i32
  }
  func.func @transform_2(%arg0: i32) -> (i32, i32) {
    %c0_i32 = arith.constant 0 : i32
    %c0_i32_0 = arith.constant 0 : i32
    return %arg0, %c0_i32 : i32, i32
  }
}

</mosaic_0001>

<sc_bundles>
// kernel: kernel.4.cloned.1.call-start
scs
__scs_entry_jumppad:
0x0: {  	(pc) =	sbr.rel $0x88, $3  }
0x1: {  	(tag) =	ssettag $0x0;
	lr =	simm.s32 $0x1  }
0x2: {  	[smem:$0x3F9E] =	sst lr;
	_ =	strace $0xD0000000  }
0x3: {  	_ = 	snop  }
0x4: {  	_ = 	snop  }
0x5: {  	_ = 	snop  }
0x6: {  	_ = 	snop  }
0x7: {  	_ = 	snop  }
__scs_overlays_trampoline_lowered:
0x8: {  	[smem:$0x3FAD] =	sst s0  }
0x9: {  	[smem:$0x3FAE] =	sst s1  }
0xa: {  	[smem:$0x3FAF] =	sst s2  }
0xb: {  	[smem:$0x3FB0] =	sst s3  }
0xc: {  	[smem:$0x3FB1] =	sst s4  }
0xd: {  	[smem:$0x3FB2] =	sst s5  }
0xe: {  	[smem:$0x3FB3] =	sst s6  }
0xf: {  	[smem:$0x3FB4] =	sst s7  }
0x10: {  	[smem:$0x3FB5] =	sst s8  }
0x11: {  	[smem:$0x3FB6] =	sst s9;
	s0 =	simm.s32 @!p0 $0x0  }
0x12: {  	s1 =	sld [smem:$0x3F9C];
	s0 =	simm.s32 @p0 $0x1  }
0x13: {  	[smem:$0x3FB7] =	sst s0;
	s0 =	simm.s32 @!p1 $0x0  }
0x14: {  	s2 =	sld [smem:$0x3F9B];
	s0 =	simm.s32 @p1 $0x1  }
0x15: {  	[smem:$0x3FB8] =	sst s0;
	s0 =	simm.s32 @!p2 $0x0  }
0x16: {  	s3 =	sld [smem:$0x3FDB];
	s0 =	simm.s32 @p2 $0x1  }
0x17: {  	s4 =	simm.s32 $0x1BF5;
	[smem:$0x3FBA] =	sst s0  }
0x18: {  	s0 =	sld [smem:$0x3F9D];
	_ =	swait.ge [sflag:s4], $0x0  }
0x19: {  	s7 =	sld [smem:$0x3F9E]  }
0x1a: {  	s8 =	sadd.s32 $0xFFFFE003, lr  }
0x1b: {  	s9 =	sadd.s32 $0xFFFFFEF7, lr;
	s5 =	simm.s32 $0xFFFFFFFF;
	p2 =	slt.u32 s8, $0xFFFFF086  }
0x1c: {  	p1 =	slt.u32 s9, $0xF7A;
	s5 =	simm.s32 @!p2 $0x0  }
0x1d: {  	s5 =	simm.s32 @p1 $0x1;
	p0 =	seq.s32 s7, s2  }
0x1e: {  	s7 =	smul.u32 @!p0 $0xF7A, s2;
	p2 =	seq.s32 @!p0 s5, $0x0  }
0x1f: {  	s9 =	smul.u32 $0xF7A, s1;
	s8 =	simm.s32 @!p0 $0x1BF5;
	p2 =	por !p2, p0  }
0x20: {  	[sflag:s8] =	ssyncset.s32 @!p0 $0xFFFFF086;
	s6 =	sadd.s32 @!p0 s3, s7;
	s7 =	simm.s32 @!p0 $0x108  }
0x21: {  	s3 =	sadd.s32 s3, s9;
	s6 =	sadd.s32 @!p0 $0x88, s6;
	s7 =	simm.s32 @p2 $0x1082  }
0x22: {  	[simem:s7], [sflag:s8] =	dma.local @!p0 [hbm:s6], $0xF7A  }
0x23: {  	s9 =	sor.u32 $0xD0000000, s2;
	s6 =	simm.s32 $0x108;
	_ =	swait.ge @!p0 [sflag:s8], $0x0  }
0x24: {  	s3 =	sadd.s32 $0x88, s3;
	s6 =	simm.s32 @!p1 $0x1082;
	[sflag:s4] =	ssyncset.s32 $0xFFFFF086  }
0x25: {  	[simem:s6], [sflag:s4] =	dma.local [hbm:s3], $0xF7A  }
0x26: {  	[smem:$0x3F9E] =	sst s1;
	(tag) =	ssettag s2;
	_ =	strace s9  }
0x27: {  	s1 =	sld [smem:$0x3FAE]  }
0x28: {  	s2 =	sld [smem:$0x3FAF]  }
0x29: {  	s4 =	sld [smem:$0x3FB1]  }
0x2a: {  	p0 =	seq.s32 s5, $0x0;
	s5 =	sld [smem:$0x3FB2]  }
0x2b: {  	s6 =	sld [smem:$0x3FB3]  }
0x2c: {  	s7 =	sld [smem:$0x3FB4]  }
0x2d: {  	s3 =	simm.s32 $0x108;
	s8 =	sld [smem:$0x3FB5]  }
0x2e: {  	s3 =	simm.s32 @!p0 $0x1082;
	s9 =	sld [smem:$0x3FB6]  }
0x2f: {  	lr =	sadd.s32 s0, s3;
	s0 =	sld [smem:$0x3FAD]  }
0x30: {  	s3 =	sld [smem:$0x3FB0]  }
0x31: {  	[smem:$0x3FB9] =	sst s10  }
0x32: {  	s10 =	sld [smem:$0x3FB7];
	_ =	sdelay $0x3  }
0x33: {  	p0 =	seq.s32 s10, $0x1;
	s10 =	sld [smem:$0x3FB9];
	_ =	sdelay $0x3  }
0x34: {  	[smem:$0x3FB9] =	sst s10  }
0x35: {  	s10 =	sld [smem:$0x3FB8];
	_ =	sdelay $0x3  }
0x36: {  	p1 =	seq.s32 s10, $0x1;
	s10 =	sld [smem:$0x3FB9];
	_ =	sdelay $0x3  }
0x37: {  	[smem:$0x3FB9] =	sst s10  }
0x38: {  	s10 =	sld [smem:$0x3FBA]  }
0x39: {  	_ = 	snop;
	(pc) =	sbr.ind lr, $3  }
0x3a: {  	_ = 	snop  }
0x3b: {  	_ = 	snop  }
0x3c: {  	p2 =	seq.s32 s10, $0x1;
	s10 =	sld [smem:$0x3FB9]  }
0x3d: {  	_ =	shalt  }
0x3e: {  	_ =	shalt  }
0x3f: {  	_ =	shalt  }
0x40: {  	_ =	shalt  }
0x41: {  	_ =	shalt  }
0x42: {  	_ =	shalt  }
0x43: {  	_ =	shalt  }
0x44: {  	_ =	shalt  }
0x45: {  	_ =	shalt  }
0x46: {  	_ =	shalt  }
0x47: {  	_ =	shalt  }
0x48: {  	_ =	shalt  }
0x49: {  	_ =	shalt  }
0x4a: {  	_ =	shalt  }
0x4b: {  	_ =	shalt  }
0x4c: {  	_ =	shalt  }
0x4d: {  	_ =	shalt  }
0x4e: {  	_ =	shalt  }
0x4f: {  	_ =	shalt  }
0x50: {  	_ =	shalt  }
0x51: {  	_ =	shalt  }
0x52: {  	_ =	shalt  }
0x53: {  	_ =	shalt  }
0x54: {  	_ =	shalt  }
0x55: {  	_ =	shalt  }
0x56: {  	_ =	shalt  }
0x57: {  	_ =	shalt  }
0x58: {  	_ =	shalt  }
0x59: {  	_ =	shalt  }
0x5a: {  	_ =	shalt  }
0x5b: {  	_ =	shalt  }
0x5c: {  	_ =	shalt  }
0x5d: {  	_ =	shalt  }
0x5e: {  	_ =	shalt  }
0x5f: {  	_ =	shalt  }
0x60: {  	_ =	shalt  }
0x61: {  	_ =	shalt  }
0x62: {  	_ =	shalt  }
0x63: {  	_ =	shalt  }
0x64: {  	_ =	shalt  }
0x65: {  	_ =	shalt  }
0x66: {  	_ =	shalt  }
0x67: {  	_ =	shalt  }
0x68: {  	_ =	shalt  }
0x69: {  	_ =	shalt  }
0x6a: {  	_ =	shalt  }
0x6b: {  	_ =	shalt  }
0x6c: {  	_ =	shalt  }
0x6d: {  	_ =	shalt  }
0x6e: {  	_ =	shalt  }
0x6f: {  	_ =	shalt  }
0x70: {  	_ =	shalt  }
0x71: {  	_ =	shalt  }
0x72: {  	_ =	shalt  }
0x73: {  	_ =	shalt  }
0x74: {  	_ =	shalt  }
0x75: {  	_ =	shalt  }
0x76: {  	_ =	shalt  }
0x77: {  	_ =	shalt  }
0x78: {  	_ =	shalt  }
0x79: {  	_ =	shalt  }
0x7a: {  	_ =	shalt  }
0x7b: {  	_ =	shalt  }
0x7c: {  	_ =	shalt  }
0x7d: {  	_ =	shalt  }
0x7e: {  	_ =	shalt  }
0x7f: {  	_ =	shalt  }
0x80: {  	_ =	shalt  }
0x81: {  	_ =	shalt  }
0x82: {  	_ =	shalt  }
0x83: {  	_ =	shalt  }
0x84: {  	_ =	shalt  }
0x85: {  	_ =	shalt  }
0x86: {  	_ =	shalt  }
0x87: {  	_ =	shalt  }
.Lfunc_end0:
.L_simem_size_0:
called_computation_lowered:
.L_overlay_start_0:
0x88: {  	s2 =	sld [smem:$0x3FD9]  }
0x89: {  	s3 =	sld [smem:$0x3FFE];
	_ =	sdelay $0x1  }
0x8a: {  	s1 =	srdreg.scid  }
0x8b: {  	s0 =	sand.u32 $0x1, s1  }
0x8c: {  	s17 =	sshll.u32 s0, $0xA;
	s2 =	sadd.s32 s3, s2  }
0x8d: {  	s2 =	sadd.s32 s2, s17  }
0x8e: {  	[smem:$0x3FC5] =	sst s2  }
0x8f: {  	_ = 	snop  }
0x90: {  	s2 =	sld [smem:$0x3FC9]  }
0x91: {  	s18 =	sld [smem:$0x3FC8];
	(tm) =	ssettm $0x1  }
0x92: {  	s4 =	sld [smem:$0x3FFB];
	_ =	sdelay $0x3  }
0x93: {  	_ =	strace s4  }
0x94: {  	s4 =	sld [smem:$0x3FFC];
	_ =	sdelay $0x3  }
0x95: {  	_ =	strace s4  }
0x96: {  	s4 =	sld [smem:$0x3FFD];
	_ =	sdelay $0x3  }
0x97: {  	_ =	strace s4  }
0x98: {  	_ =	strace $0x8FFFFFFF  }
0x99: {  	s19 =	sld [smem:$0x3FDB];
	_ =	sdelay $0x1  }
0x9a: {  	s5 =	simm.s32 $_scs_section_size  }
0x9b: {  	s6 =	simm.s32 $_size__tile_overlayer_lowered;
	s7 =	simm.s32 $_tile_overlayer_lowered  }
0x9c: {  	s22 =	simm.s32 $0x1BFF;
	s21 =	sshll.u32 s7, $0x1;
	s4 =	sadd.s32 s5, s19  }
0x9d: {  	s8 =	simm.s32 $0x0;
	s20 =	sshll.u32 s6, $0x1;
	s6 =	sadd.s32 s21, s4  }
0x9e: {  	[timem:s8], [sflag:s22] =	dma.local [hbm:s6], s20  }
0x9f: {  	_ =	swait.ge [sflag:s22], s20  }
0xa0: {  	s5 =	ssub.s32 $0x0, s20;
	[sflag:s22] =	ssyncset.done $0x0  }
0xa1: {  	[sflag:s22] =	ssyncadd.s32 s5;
	_ =	sdelay $0x1  }
0xa2: {  	s23 =	simm.s32 $0x1B8B  }
0xa3: {  	_ =	swait.ge [sflag:s23], $0x1  }
0xa4: {  	[sflag:s23] =	ssyncset.done $0x0  }
0xa5: {  	s25 =	simm.s32 $0x1B8E;
	s24 =	sld [smem:$0x3FFE];
	[sflag:s23] =	ssyncadd.s32 $0xFFFFFFFF  }
0xa6: {  	s26 =	simm.s32 $execute0_lowered;
	[smem:$0x3FD2] =	sst s25  }
0xa7: {  	s6 =	sshll.u32 s26, $0x1;
	_ =	strace $0x80000046;
	[dreg:$0x1] =	wrdreg $0xFFFFFFFF  }
0xa8: {  	s28 =	simm.s32 $_size_execute0_lowered;
	s4 =	sadd.s32 s4, s6;
	[dreg:$0x0] =	wrdreg $0x0  }
0xa9: {  	s6 =	sshll.u32 s28, $0x1;
	[dreg:$0x2] =	wrdreg s4  }
0xaa: {  	[dreg:$0x3] =	wrdreg s6  }
0xab: {  	[dreg:$0x4] =	wrdreg $0xC0  }
0xac: {  	_ =	task [dreg:s8], $0x5FFFF  }
0xad: {  	[dreg:$0x1] =	wrdreg $0xFFFFFFFF  }
0xae: {  	[dreg:$0x0] =	wrdreg $0x60  }
0xaf: {  	[dreg:$0x2] =	wrdreg s2  }
0xb0: {  	[dreg:$0x3] =	wrdreg s18  }
0xb1: {  	[dreg:$0x4] =	wrdreg s24  }
0xb2: {  	[dreg:$0x5] =	wrdreg $0xA8000  }
0xb3: {  	[dreg:$0x6] =	wrdreg $0x9  }
0xb4: {  	_ =	task.clear_ibuf [dreg:s8], $0x7FFFF;
	_ =	strace $0x90000046  }
0xb5: {  	s29 =	simm.s32 $0x9;
	_ =	strace $0x80000048  }
0xb6: {  	_ =	swait.ge [sflag:s29], $0x1  }
0xb7: {  	[sflag:s29] =	ssyncadd.s32 $0xFFFFFFFF  }
0xb8: {  	_ =	strace $0x90000048  }
0xb9: {  	_ =	sfence  }
0xba: {  	s30 =	sld [smem:$0x0];
	_ =	sdelay $0x2  }
0xbb: {  	s31 =	sshll.u32 s1, $0xD;
	s1 =	sshrl.u32 s1, $0x2  }
0xbc: {  	s3 =	sand.u32 $0x4000, s31;
	s1 =	sadd.s32 s1, s30  }
0xbd: {  	s0 =	sor.u32 s3, s0;
	s1 =	sshll.u32 s1, $0x11  }
0xbe: {  	s0 =	sor.u32 s1, s0  }
0xbf: {  	s0 =	sadd.s32 $0x8F2B, s0  }
0xc0: {  	[sflag:s0] =	ssyncadd.remote.s32 $0x1  }
0xc1: {  	_ =	sfence.sel $0xFFFF  }
0xc2: {  	[dreg:$0x0] =	wrdreg $0xFFFFFFFF;
	(pc) =	sbr.abs _section_cstart, $3  }
0xc3: {  	[dreg:$0x1] =	wrdreg $0xFFFFFFFF  }
0xc4: {  	_ =	task.clear_ibuf [dreg:s8], $0x2FFFF;
	_ =	strace $0x9FFFFFFF  }
0xc5: {  	(tm) =	ssettm $0x7FFFFFFF  }
tec
execute0_lowered:
.L_overlay_start_1:
0x0: {  	(tag) =	ssettag $0x1  }
0x1: {  	s1 =	rddreg [dreg:$0x0]  }
0x2: {  	s15 =	rddreg [dreg:$0x1]  }
0x3: {  	s5 =	rddreg [dreg:$0x2]  }
0x4: {  	s2 =	rddreg [dreg:$0x3];
	s4 =	stileid.u32  }
0x5: {  	s3 =	srdreg.scid;
	s0 =	simm.s32 $0x0;
	s29 =	smul.u32 $0x4E000, s4  }
0x6: {  	s28 =	simm.s32 $0x0;
	s9 =	sand.u32 $0x1, s3;
	s17 =	smul.u32 $0x13800, s4  }
0x7: {  	[smem:$0x7FF] =	sst s0;
	s13 =	sadd.s32 $0x800, s5;
	s18 =	smul.u32 $0xFFFFD800, s4  }
0x8: {  	s6 =	sshll.u32 s9, $0x4;
	_ =	strace $0x80000047;
	s12 =	smul.u32 $0x138800, s9  }
0x9: {  	s30 =	ssub.s32 $0x2, s9;
	s19 =	smul.u32 $0xFFFD8000, s9;
	s14 =	sor.u32 s4, s6  }
0xa: {  	s7 =	sshrl.u32 s30, $0x1;
	s6 =	sshrl.u32 s29, $0x2;
	s10 =	smul.u32 $0xFFFFD800, s14  }
0xb: {  	s16 =	ssub.s32 s30, s7;
	s5 =	sadd.s32 s6, s2;
	s17 =	sadd.s32 s17, s12  }
0xc: {  	s18 =	sadd.s32 s19, s18;
	s31 =	sshrl.u32 s12, $0x3;
	s23 =	smul.u32 $0xA00, s14  }
0xd: {  	s6 =	sadd.s32 $0x4000, s5;
	s7 =	sadd.s32 $0x8000, s5;
	s8 =	sadd.s32 $0xC000, s5  }
0xe: {  	s9 =	sadd.s32 $0x10000, s5;
	s17 =	sshrl.u32 s17, $0x3;
	s18 =	sadd.s32 $0x4E200, s18  }
0xf: {  	s14 =	smax.u32 s16, $0x1;
	s24 =	sadd.s32 $0x4E200, s10;
	s10 =	sadd.s32 $0x138000, s2  }
0x10: {  	s12 =	sadd.s32 s13, s17;
	s13 =	sadd.s32 s13, s31;
	s0 =	sshrl.u32 s18, $0x7  }
0x11: {  	s15 =	sadd.s32 s15, s23;
	s20 =	sshrl.u32 s24, $0x7;
	s13 =	sadd.s32 $0x27000, s13  }
0x12: {  	s18 =	smin.u32 s0, $0x28;
	p0 =	slt.u32 s24, $0x1480;
	s17 =	smin.u32 s0, $0x50  }
0x13: {  	p2 =	sgt.u32 s24, $0x2780;
	s21 =	smin.u32 s20, $0x50;
	s22 =	sshrl.u32 s18, $0x1  }
0x14: {  	s25 =	smin.u32 s20, $0x28;
	s30 =	smax.u32 s17, $0x28;
	s17 =	simm.s32 $0x1  }
0x15: {  	s18 =	sadd.s32 $0x500, s15;
	s3 =	smax.u32 s21, $0x28;
	s16 =	sshrl.u32 s25, $0x1  }
0x16: {  	s23 =	sand.u32 $0x1, s30;
	s31 =	sadd.s32 $0xFFFFFFD8, s30;
	s20 =	sadd.s32 $0xFFFFFFFF, s22  }
0x17: {  	s22 =	simm.s32 $0x2800;
	s19 =	sadd.s32 $0xFFFFFFD8, s3;
	s16 =	sadd.s32 $0xFFFFFFFF, s16  }
0x18: {  	p6 =	seq.s32 s23, $0x1;
	s23 =	simm.s32 $0x1;
	s19 =	smin.u32 s19, $0x28  }
0x19: {  	s26 =	sand.u32 $0x1, s19;
	s29 =	sshrl.u32 s19, $0x1;
	s19 =	simm.s32 $0x1  }
0x1a: {  	p1 =	seq.s32 s26, $0x1;
	s26 =	sadd.s32 $0xFFFFFFD7, s21;
	s21 =	sshrl.u32 s31, $0x1  }
0x1b: {  	p1 =	por !p0, !p1;
	p0 =	por !p0, !p6;
	p4 =	sgt.u32 s26, $0x26  }
0x1c: {  	s26 =	simm.s32 $0x2;
	p1 =	por !p1, !p1;
	p0 =	por !p0, !p0  }
.Ltmp0:
0x1d: {  	s0 =	simm.s32 @!p4 $0x0;
	s19 =	simm.s32 @!p1 $0x0;
	(pc) =	sbr.rel .LBB2_1-.Ltmp0, $4  }
0x1e: {  	s23 =	simm.s32 @!p0 $0x0;
	p0 =	sne.s32 s4, $0xF;
	p1 =	slt.u32 s24, $0x1381  }
0x1f: {  	s24 =	simm.s32 $0x80;
	s0 =	simm.s32 @p4 $0x1;
	s25 =	ssub.s32 s29, s19  }
0x20: {  	s21 =	ssub.s32 s21, s23;
	s23 =	simm.s32 $0x3;
	[smem:$0x7FD] =	sst s0  }
0x21: {  	v0 =	vimm.f32 $0.0e+00;
	s19 =	sadd.s32 $0xFFFFFFFF, s25;
	p3 =	slt.s32 s25, $0x1;
	s25 =	simm.s32 $0x6800  }
.LBB2_13:
0x22: {  	s29 =	simm.s32 $0x0  }
.LBB2_16:
0x23: {  	[sflag:s23] =	ssyncset.done @p5 $0x0  }
0x24: {  	s0 =	sadd.s32 $0x180, s30;
	[sflag:s23] =	ssyncadd.s32 @p5 $0xFFFFC000  }
0x25: {  	[tilespmem:s25], [sflag:$0x2] =	stream.indirect.gather [hbm4b:s1+s24], $0x80, s0, s24, $0xb8;
	[tilespmem:$0x1E080] =	vst v63  }
0x26: {  	_ =	swait.ge [sflag:s17], $0x4000  }
0x27: {  	[sflag:s17] =	ssyncset.done $0x0  }
0x28: {  	[sflag:s17] =	ssyncadd.s32 $0xFFFFC000  }
0x29: {  	[spmem:s2] =	stream.indirect.scatter.add.f32 [tilespmem:s22], [sflag:$0x3], $0x80, s30, s24, $0xb8;
	[tilespmem:$0x1E080] =	vst v63  }
0x2a: {  	p4 =	sge.s32 s29, s19;
	_ =	swait.ge [sflag:s23], $0x4000  }
0x2b: {  	s3 =	simm.s32 @!p4 $0x80;
	[sflag:s23] =	ssyncset.done $0x0  }
0x2c: {  	s4 =	simm.s32 @!p4 $0x2800;
	s0 =	sadd.s32 @!p4 $0x280, s30;
	[sflag:s23] =	ssyncadd.s32 $0xFFFFC000  }
0x2d: {  	[tilespmem:s4], [sflag:$0x1] =	stream.indirect.gather @!p4 [hbm4b:s1+s3], $0x80, s0, s3, $0xb8;
	[tilespmem:$0x1E080] =	vst v63  }
0x2e: {  	_ =	swait.ge [sflag:s26], $0x4000  }
0x2f: {  	[sflag:s26] =	ssyncset.done $0x0  }
0x30: {  	s31 =	sadd.s32 $0x100, s30;
	[sflag:s26] =	ssyncadd.s32 $0xFFFFC000  }
0x31: {  	[spmem:s2] =	stream.indirect.scatter.add.f32 [tilespmem:s25], [sflag:$0x3], $0x80, s31, s24, $0xb8;
	[tilespmem:$0x1E080] =	vst v63  }
0x32: {  	_ =	swait.ge [sflag:s23], $0x4000  }
0x33: {  	[sflag:s23] =	ssyncset.done $0x0  }
0x34: {  	s4 =	stileid.u32;
	[sflag:s23] =	ssyncadd.s32 $0xFFFFC000  }
.LBB2_17:
0x35: {  	s0 =	sshll.u32 s4, $0x6  }
0x36: {  	[bflag:$0x0] =	sbarrier.arrive $0xFFFF;
	s3 =	sshrl.u32 s5, $0x3;
	s0 =	sor.u32 $0x1C03, s0  }
0x37: {  	[hbm:s12], [sflag:s0] =	dma.local [spmem:s3], $0x2700  }
0x38: {  	_ =	swait.ge [sflag:s23], $0x2700  }
0x39: {  	s28 =	sadd.s32 $0x1, s28;
	[sflag:s23] =	ssyncset.done $0x0  }
0x3a: {  	p4 =	sne.s32 s28, s14;
	s3 =	sshrl.u32 @!p0 s10, $0x3;
	[sflag:s23] =	ssyncadd.s32 $0xFFFFD900  }
0x3b: {  	[hbm:s13], [sflag:s0] =	dma.local @!p0 [spmem:s3], $0x100  }
.Ltmp1:
0x3c: {  	_ = 	snop;
	(pc) =	sbr.rel @!p4 .LBB2_18-.Ltmp1, $4  }
0x3d: {  	s0 =	simm.s32 @!p0 $0x3  }
0x3e: {  	_ =	swait.ge @!p0 [sflag:s0], $0x100  }
0x3f: {  	[sflag:s0] =	ssyncset.done @!p0 $0x0  }
0x40: {  	[sflag:s0] =	ssyncadd.s32 @!p0 $0xFFFFFF00  }
.LBB2_1:
0x41: {  	s29 =	simm.s32 $0x0;
	s30 =	simm.s32 $0x200  }
.LBB2_2:
0x42: {  	p5 =	sne.s32 s30, $0xFE00;
	[tilespmem:s29+$0x2870] =	vst v0  }
0x43: {  	[tilespmem:s29+$0x2800] =	vst v0  }
0x44: {  	[tilespmem:s29+$0x2810] =	vst v0  }
.Ltmp2:
0x45: {  	[tilespmem:s29+$0x2820] =	vst v0;
	(pc) =	sbr.rel @p5 .LBB2_2-.Ltmp2, $4  }
0x46: {  	[tilespmem:s29+$0x2830] =	vst v0  }
0x47: {  	[tilespmem:s29+$0x2840] =	vst v0  }
0x48: {  	[tilespmem:s29+$0x2850] =	vst v0  }
0x49: {  	[tilespmem:s29+$0x2860] =	vst v0;
	s29 =	sshra.s32 s30, $0x2;
	s30 =	sadd.s32 $0x200, s30  }
0x4a: {  	[tilespmem:s29+$0x2870] =	vst v0  }
0x4b: {  	[tilespmem:s29+$0x2800] =	vst v0  }
0x4c: {  	[tilespmem:s29+$0x2810] =	vst v0  }
0x4d: {  	[tilespmem:s29+$0x2820] =	vst v0  }
0x4e: {  	[tilespmem:s29+$0x2830] =	vst v0  }
0x4f: {  	[tilespmem:s29+$0x2840] =	vst v0  }
0x50: {  	[tilespmem:s29+$0x2850] =	vst v0  }
0x51: {  	[tilespmem:s29+$0x2860] =	vst v0  }
0x52: {  	[spmem:s5] =	stream.linear.scatter [tilespmem:s22], [sflag:$0x3], $0x4000, $0x38;
	[tilespmem:$0x1E080] =	vst v63  }
0x53: {  	_ =	swait.ge [sflag:s23], $0x4000  }
0x54: {  	[sflag:s23] =	ssyncset.done $0x0  }
0x55: {  	[sflag:s23] =	ssyncadd.s32 $0xFFFFC000  }
0x56: {  	[spmem:s6] =	stream.linear.scatter [tilespmem:s22], [sflag:$0x3], $0x4000, $0x38;
	[tilespmem:$0x1E080] =	vst v63  }
0x57: {  	_ =	swait.ge [sflag:s23], $0x4000  }
0x58: {  	[sflag:s23] =	ssyncset.done $0x0  }
0x59: {  	[sflag:s23] =	ssyncadd.s32 $0xFFFFC000  }
0x5a: {  	[spmem:s7] =	stream.linear.scatter [tilespmem:s22], [sflag:$0x3], $0x4000, $0x38;
	[tilespmem:$0x1E080] =	vst v63  }
0x5b: {  	_ =	swait.ge [sflag:s23], $0x4000  }
0x5c: {  	[sflag:s23] =	ssyncset.done $0x0  }
0x5d: {  	[sflag:s23] =	ssyncadd.s32 $0xFFFFC000  }
0x5e: {  	[spmem:s8] =	stream.linear.scatter [tilespmem:s22], [sflag:$0x3], $0x4000, $0x38;
	[tilespmem:$0x1E080] =	vst v63  }
0x5f: {  	_ =	swait.ge [sflag:s23], $0x4000  }
0x60: {  	[sflag:s23] =	ssyncset.done $0x0  }
0x61: {  	[sflag:s23] =	ssyncadd.s32 $0xFFFFC000  }
0x62: {  	[spmem:s9] =	stream.linear.scatter [tilespmem:s22], [sflag:$0x3], $0x3800, $0x38;
	[tilespmem:$0x1E080] =	vst v63  }
0x63: {  	_ =	swait.ge [sflag:s23], $0x3800  }
0x64: {  	[sflag:s23] =	ssyncset.done $0x0  }
0x65: {  	s29 =	simm.s32 @!p0 $0x2800;
	[sflag:s23] =	ssyncadd.s32 $0xFFFFC800  }
0x66: {  	[spmem:s10] =	stream.linear.scatter @!p0 [tilespmem:s29], [sflag:$0x3], $0x800, $0x38;
	[tilespmem:$0x1E080] =	vst v63  }
0x67: {  	s29 =	simm.s32 @!p0 $0x3  }
0x68: {  	_ =	swait.ge @!p0 [sflag:s29], $0x800  }
0x69: {  	[sflag:s29] =	ssyncset.done @!p0 $0x0  }
0x6a: {  	[sflag:s29] =	ssyncadd.s32 @!p0 $0xFFFFF800  }
0x6b: {  	s29 =	simm.s32 @p1 $0x0;
	[bflag:$0x0] =	sbarrier.arrive $0xFFFF  }
0x6c: {  	[tilespmem:s29], [sflag:$0x3] =	stream.linear.gather @p1 [hbm4b:s15+s29], $0x1400, $0x38;
	[tilespmem:$0x1E080] =	vst v63  }
0x6d: {  	s29 =	simm.s32 @p1 $0x3  }
0x6e: {  	_ =	swait.ge @p1 [sflag:s29], $0x1400  }
0x6f: {  	[sflag:s29] =	ssyncset.done @p1 $0x0  }
0x70: {  	p6 =	sne.s32 s20, $0x1;
	[sflag:s29] =	ssyncadd.s32 @p1 $0xFFFFEC00;
	s29 =	simm.s32 @!p1 $0x0  }
0x71: {  	[tilespmem:s29], [sflag:$0x3] =	stream.linear.gather @!p1 [hbm4b:s15+s29], $0x2800, $0x38;
	[tilespmem:$0x1E080] =	vst v63  }
.Ltmp3:
0x72: {  	s29 =	simm.s32 @!p1 $0x3;
	(pc) =	sbr.rel @!p6 .LBB2_7-.Ltmp3, $4  }
0x73: {  	_ =	swait.ge @!p1 [sflag:s29], $0x2800  }
0x74: {  	s30 =	simm.s32 $0x0;
	[sflag:s29] =	ssyncset.done @!p1 $0x0  }
0x75: {  	p5 =	por $0x0, $0x0;
	[sflag:s29] =	ssyncadd.s32 @!p1 $0xFFFFD800;
	s29 =	simm.s32 $0x1  }
0x76: {  	[tilespmem:s22], [sflag:$0x1] =	stream.indirect.gather [hbm4b:s1+s24], $0x80, s24, s24, $0xb8;
	[tilespmem:$0x1E080] =	vst v63  }
0x77: {  	s29 =	simm.s32 $0x180  }
0x78: {  	[tilespmem:s25], [sflag:$0x2] =	stream.indirect.gather [hbm4b:s1+s24], $0x80, s29, s24, $0xb8;
	[tilespmem:$0x1E080] =	vst v63  }
0x79: {  	_ =	swait.ge [sflag:s17], $0x4000  }
0x7a: {  	[sflag:s17] =	ssyncset.done $0x0  }
0x7b: {  	[sflag:s17] =	ssyncadd.s32 $0xFFFFC000  }
0x7c: {  	[spmem:s2] =	stream.indirect.scatter.add.f32 [tilespmem:s22], [sflag:$0x3], $0x80, s30, s24, $0xb8;
	[tilespmem:$0x1E080] =	vst v63  }
0x7d: {  	_ =	swait.ge [sflag:s23], $0x4000  }
0x7e: {  	[sflag:s23] =	ssyncset.done $0x0  }
0x7f: {  	s29 =	simm.s32 $0x280;
	[sflag:s23] =	ssyncadd.s32 $0xFFFFC000  }
0x80: {  	[tilespmem:s22], [sflag:$0x1] =	stream.indirect.gather [hbm4b:s1+s24], $0x80, s29, s24, $0xb8;
	[tilespmem:$0x1E080] =	vst v63  }
0x81: {  	p6 =	sne.s32 s20, $0x2;
	_ =	swait.ge [sflag:s26], $0x4000  }
.Ltmp4:
0x82: {  	[sflag:s26] =	ssyncset.done $0x0;
	(pc) =	sbr.rel @!p6 .LBB2_7-.Ltmp4, $4  }
0x83: {  	s29 =	simm.s32 $0x100;
	[sflag:s26] =	ssyncadd.s32 $0xFFFFC000  }
0x84: {  	[spmem:s2] =	stream.indirect.scatter.add.f32 [tilespmem:s25], [sflag:$0x3], $0x80, s29, s24, $0xb8;
	[tilespmem:$0x1E080] =	vst v63  }
0x85: {  	p5 =	por $0x1, $0x1;
	_ =	swait.ge [sflag:s23], $0x4000  }
0x86: {  	s30 =	simm.s32 $0x200;
	s29 =	simm.s32 $0x2;
	[sflag:s23] =	ssyncset.done $0x0  }
.LBB2_5:
0x87: {  	s29 =	sadd.s32 $0x1, s29;
	s11 =	sadd.s32 $0x180, s30;
	[sflag:s23] =	ssyncadd.s32 $0xFFFFC000  }
0x88: {  	[tilespmem:s25], [sflag:$0x2] =	stream.indirect.gather [hbm4b:s1+s24], $0x80, s11, s24, $0xb8;
	[tilespmem:$0x1E080] =	vst v63  }
0x89: {  	p6 =	sne.s32 s20, s29;
	_ =	swait.ge [sflag:s17], $0x4000  }
0x8a: {  	[sflag:s17] =	ssyncset.done $0x0  }
0x8b: {  	[sflag:s17] =	ssyncadd.s32 $0xFFFFC000  }
0x8c: {  	[spmem:s2] =	stream.indirect.scatter.add.f32 [tilespmem:s22], [sflag:$0x3], $0x80, s30, s24, $0xb8;
	[tilespmem:$0x1E080] =	vst v63  }
0x8d: {  	_ =	swait.ge [sflag:s23], $0x4000  }
0x8e: {  	[sflag:s23] =	ssyncset.done $0x0  }
0x8f: {  	s11 =	sadd.s32 $0x280, s30;
	[sflag:s23] =	ssyncadd.s32 $0xFFFFC000  }
0x90: {  	[tilespmem:s22], [sflag:$0x1] =	stream.indirect.gather [hbm4b:s1+s24], $0x80, s11, s24, $0xb8;
	[tilespmem:$0x1E080] =	vst v63  }
0x91: {  	_ =	swait.ge [sflag:s26], $0x4000  }
.Ltmp5:
0x92: {  	[sflag:s26] =	ssyncset.done $0x0;
	(pc) =	sbr.rel @p6 .LBB2_5-.Ltmp5, $4  }
0x93: {  	s11 =	sadd.s32 $0x100, s30;
	[sflag:s26] =	ssyncadd.s32 $0xFFFFC000  }
0x94: {  	[spmem:s2] =	stream.indirect.scatter.add.f32 [tilespmem:s25], [sflag:$0x3], $0x80, s11, s24, $0xb8;
	[tilespmem:$0x1E080] =	vst v63  }
0x95: {  	s11 =	sadd.s32 $0x200, s30;
	_ =	swait.ge [sflag:s23], $0x4000  }
0x96: {  	s30 =	smov.u32 s11;
	[sflag:s23] =	ssyncset.done $0x0  }
0x97: {  	s30 =	smov.u32 s11  }
.LBB2_7:
0x98: {  	s31 =	sadd.s32 $0x180, s30;
	[sflag:s23] =	ssyncadd.s32 @p5 $0xFFFFC000  }
0x99: {  	[tilespmem:s25], [sflag:$0x2] =	stream.indirect.gather [hbm4b:s1+s24], $0x80, s31, s24, $0xb8;
	[tilespmem:$0x1E080] =	vst v63  }
0x9a: {  	_ =	swait.ge [sflag:s17], $0x4000  }
0x9b: {  	[sflag:s17] =	ssyncset.done $0x0  }
0x9c: {  	[sflag:s17] =	ssyncadd.s32 $0xFFFFC000  }
0x9d: {  	[spmem:s2] =	stream.indirect.scatter.add.f32 [tilespmem:s22], [sflag:$0x3], $0x80, s30, s24, $0xb8;
	[tilespmem:$0x1E080] =	vst v63  }
0x9e: {  	_ =	swait.ge [sflag:s23], $0x4000  }
0x9f: {  	[sflag:s23] =	ssyncset.done $0x0  }
0xa0: {  	s0 =	sadd.s32 $0x280, s30;
	[sflag:s23] =	ssyncadd.s32 $0xFFFFC000  }
0xa1: {  	[tilespmem:s22], [sflag:$0x1] =	stream.indirect.gather [hbm4b:s1+s24], $0x80, s0, s24, $0xb8;
	[tilespmem:$0x1E080] =	vst v63  }
0xa2: {  	_ =	swait.ge [sflag:s26], $0x4000  }
0xa3: {  	[sflag:s26] =	ssyncset.done $0x0  }
0xa4: {  	s3 =	sadd.s32 $0x100, s30;
	[sflag:s26] =	ssyncadd.s32 $0xFFFFC000  }
0xa5: {  	[spmem:s2] =	stream.indirect.scatter.add.f32 [tilespmem:s25], [sflag:$0x3], $0x80, s3, s24, $0xb8;
	[tilespmem:$0x1E080] =	vst v63  }
0xa6: {  	_ =	swait.ge [sflag:s23], $0x4000  }
0xa7: {  	[sflag:s23] =	ssyncset.done $0x0  }
0xa8: {  	s0 =	sadd.s32 $0x380, s11;
	[sflag:s23] =	ssyncadd.s32 $0xFFFFC000  }
0xa9: {  	[tilespmem:s25], [sflag:$0x2] =	stream.indirect.gather [hbm4b:s1+s24], $0x80, s0, s24, $0xb8;
	[tilespmem:$0x1E080] =	vst v63  }
0xaa: {  	_ =	swait.ge [sflag:s17], $0x4000  }
0xab: {  	[sflag:s17] =	ssyncset.done $0x0  }
0xac: {  	s3 =	sadd.s32 $0x200, s30;
	[sflag:s17] =	ssyncadd.s32 $0xFFFFC000  }
0xad: {  	[spmem:s2] =	stream.indirect.scatter.add.f32 [tilespmem:s22], [sflag:$0x3], $0x80, s3, s24, $0xb8;
	[tilespmem:$0x1E080] =	vst v63  }
0xae: {  	p5 =	sge.u32 s29, s16;
	_ =	swait.ge [sflag:s23], $0x4000  }
0xaf: {  	s29 =	sadd.s32 @!p5 $0x480, s11;
	[sflag:s23] =	ssyncset.done $0x0  }
0xb0: {  	s31 =	simm.s32 @!p5 $0x2800;
	s30 =	simm.s32 @!p5 $0x80;
	[sflag:s23] =	ssyncadd.s32 $0xFFFFC000  }
0xb1: {  	[tilespmem:s31], [sflag:$0x1] =	stream.indirect.gather @!p5 [hbm4b:s1+s30], $0x80, s29, s30, $0xb8;
	[tilespmem:$0x1E080] =	vst v63  }
0xb2: {  	_ =	swait.ge [sflag:s26], $0x4000  }
0xb3: {  	[sflag:s26] =	ssyncset.done $0x0  }
.Ltmp6:
0xb4: {  	s31 =	sadd.s32 $0x300, s11;
	[sflag:s26] =	ssyncadd.s32 $0xFFFFC000;
	(pc) =	sbr.rel @!p2 .LBB2_8-.Ltmp6, $4  }
0xb5: {  	[spmem:s2] =	stream.indirect.scatter.add.f32 [tilespmem:s25], [sflag:$0x3], $0x80, s31, s24, $0xb8;
	[tilespmem:$0x1E080] =	vst v63  }
0xb6: {  	_ =	swait.ge [sflag:s23], $0x4000  }
0xb7: {  	[sflag:s23] =	ssyncset.done $0x0  }
0xb8: {  	[sflag:s23] =	ssyncadd.s32 $0xFFFFC000  }
.Ltmp7:
0xb9: {  	s0 =	simm.s32 $0x0;
	(pc) =	sbr.rel .LBB2_11-.Ltmp7, $4  }
0xba: {  	[tilespmem:s0], [sflag:$0x3] =	stream.linear.gather [hbm4b:s18+s0], $0x2800, $0x38;
	[tilespmem:$0x1E080] =	vst v63  }
0xbb: {  	_ =	swait.ge [sflag:s23], $0x2800  }
0xbc: {  	[sflag:s23] =	ssyncset.done $0x0  }
0xbd: {  	[sflag:s23] =	ssyncadd.s32 $0xFFFFD800  }
.LBB2_8:
0xbe: {  	s0 =	sld [smem:$0x7FD];
	_ =	sdelay $0x2  }
0xbf: {  	p4 =	seq.s32 s0, $0x1  }
.Ltmp8:
0xc0: {  	_ = 	snop;
	(pc) =	sbr.rel @p4 .LBB2_17-.Ltmp8, $1  }
0xc1: {  	_ =	sdelay $0x3  }
0xc2: {  	s0 =	simm.s32 $0x0  }
0xc3: {  	[tilespmem:s0], [sflag:$0x3] =	stream.linear.gather [hbm4b:s18+s0], $0x1400, $0x38;
	[tilespmem:$0x1E080] =	vst v63  }
0xc4: {  	_ =	swait.ge [sflag:s23], $0x1400  }
0xc5: {  	[sflag:s23] =	ssyncset.done $0x0  }
0xc6: {  	[sflag:s23] =	ssyncadd.s32 $0xFFFFEC00  }
.LBB2_11:
.Ltmp9:
0xc7: {  	(pc) =	sbr.rel @p3 .LBB2_17-.Ltmp9, $3  }
0xc8: {  	_ =	sdelay $0x1  }
0xc9: {  	[tilespmem:s22], [sflag:$0x1] =	stream.indirect.gather [hbm4b:s1+s24], $0x80, s24, s24, $0xb8;
	[tilespmem:$0x1E080] =	vst v63  }
0xca: {  	s30 =	simm.s32 $0x0  }
0xcb: {  	p6 =	sne.s32 s21, $0x1  }
.Ltmp10:
0xcc: {  	_ = 	snop;
	(pc) =	sbr.rel @!p6 .LBB2_13-.Ltmp10, $2  }
0xcd: {  	_ =	sdelay $0x2  }
0xce: {  	s29 =	simm.s32 $0x1;
	p5 =	por $0x0, $0x0  }
0xcf: {  	s31 =	simm.s32 $0x180  }
0xd0: {  	[tilespmem:s25], [sflag:$0x2] =	stream.indirect.gather [hbm4b:s1+s24], $0x80, s31, s24, $0xb8;
	[tilespmem:$0x1E080] =	vst v63  }
0xd1: {  	_ =	swait.ge [sflag:s17], $0x4000  }
0xd2: {  	[sflag:s17] =	ssyncset.done $0x0  }
0xd3: {  	[sflag:s17] =	ssyncadd.s32 $0xFFFFC000  }
0xd4: {  	[spmem:s2] =	stream.indirect.scatter.add.f32 [tilespmem:s22], [sflag:$0x3], $0x80, s30, s24, $0xb8;
	[tilespmem:$0x1E080] =	vst v63  }
0xd5: {  	p5 =	sle.s32 s19, $0x0;
	_ =	swait.ge [sflag:s23], $0x4000  }
0xd6: {  	p6 =	sne.s32 s21, $0x2;
	s31 =	simm.s32 @!p5 $0x80;
	[sflag:s23] =	ssyncset.done $0x0  }
0xd7: {  	s0 =	simm.s32 @!p5 $0x2800;
	s30 =	simm.s32 @!p5 $0x280;
	[sflag:s23] =	ssyncadd.s32 $0xFFFFC000  }
0xd8: {  	[tilespmem:s0], [sflag:$0x1] =	stream.indirect.gather @!p5 [hbm4b:s1+s31], $0x80, s30, s31, $0xb8;
	[tilespmem:$0x1E080] =	vst v63  }
.Ltmp11:
0xd9: {  	_ =	swait.ge [sflag:s26], $0x4000;
	(pc) =	sbr.rel @!p6 .LBB2_16-.Ltmp11, $4  }
0xda: {  	[sflag:s26] =	ssyncset.done $0x0  }
0xdb: {  	s4 =	simm.s32 $0x100;
	s31 =	simm.s32 $0x2;
	[sflag:s26] =	ssyncadd.s32 $0xFFFFC000  }
0xdc: {  	[spmem:s2] =	stream.indirect.scatter.add.f32 [tilespmem:s25], [sflag:$0x3], $0x80, s4, s24, $0xb8;
	[tilespmem:$0x1E080] =	vst v63  }
0xdd: {  	s30 =	simm.s32 $0x200;
	p5 =	por $0x1, $0x1;
	_ =	swait.ge [sflag:s23], $0x4000  }
.LBB2_15:
0xde: {  	s0 =	sadd.s32 $0x180, s30  }
0xdf: {  	[sflag:s23] =	ssyncset.done $0x0;
	s4 =	smov.u32 s31;
	s31 =	sadd.s32 $0x1, s31  }
0xe0: {  	p6 =	sne.s32 s21, s31;
	[sflag:s23] =	ssyncadd.s32 $0xFFFFC000  }
0xe1: {  	[tilespmem:s25], [sflag:$0x2] =	stream.indirect.gather [hbm4b:s1+s24], $0x80, s0, s24, $0xb8;
	[tilespmem:$0x1E080] =	vst v63  }
0xe2: {  	_ =	swait.ge [sflag:s17], $0x4000  }
0xe3: {  	[sflag:s17] =	ssyncset.done $0x0  }
0xe4: {  	[sflag:s17] =	ssyncadd.s32 $0xFFFFC000  }
0xe5: {  	[spmem:s2] =	stream.indirect.scatter.add.f32 [tilespmem:s22], [sflag:$0x3], $0x80, s30, s24, $0xb8;
	[tilespmem:$0x1E080] =	vst v63  }
0xe6: {  	p4 =	sge.s32 s29, s19;
	s29 =	smov.u32 s4;
	_ =	swait.ge [sflag:s23], $0x4000  }
0xe7: {  	s4 =	simm.s32 @!p4 $0x80;
	s0 =	sadd.s32 @!p4 $0x280, s30;
	[sflag:s23] =	ssyncset.done $0x0  }
0xe8: {  	s3 =	simm.s32 @!p4 $0x2800;
	[sflag:s23] =	ssyncadd.s32 $0xFFFFC000  }
0xe9: {  	[tilespmem:s3], [sflag:$0x1] =	stream.indirect.gather @!p4 [hbm4b:s1+s4], $0x80, s0, s4, $0xb8;
	[tilespmem:$0x1E080] =	vst v63  }
.Ltmp12:
0xea: {  	_ =	swait.ge [sflag:s26], $0x4000;
	(pc) =	sbr.rel @p6 .LBB2_15-.Ltmp12, $4  }
0xeb: {  	s0 =	sadd.s32 $0x100, s30;
	[sflag:s26] =	ssyncset.done $0x0  }
0xec: {  	[sflag:s26] =	ssyncadd.s32 $0xFFFFC000  }
0xed: {  	[spmem:s2] =	stream.indirect.scatter.add.f32 [tilespmem:s25], [sflag:$0x3], $0x80, s0, s24, $0xb8;
	[tilespmem:$0x1E080] =	vst v63  }
0xee: {  	s30 =	sadd.s32 $0x200, s30;
	_ =	swait.ge [sflag:s23], $0x4000  }
.Ltmp13:
0xef: {  	_ = 	snop;
	(pc) =	sbr.rel .LBB2_16-.Ltmp13, $1  }
0xf0: {  	_ =	sdelay $0x3  }
.LBB2_18:
0xf1: {  	_ =	sfence.sel $0x180000  }
0xf2: {  	[bflag:$0x0] =	sbarrier.arrive $0xFFFF  }
0xf3: {  	_ =	strace $0x90000047  }
0xf4: {  	[bflag:$0x2] =	sbarrier.arrive $0xFFFF  }
0xf5: {  	p0 =	sne.s32 s4, $0x0;
	s0 =	rddreg [dreg:$0x4]  }
0xf6: {  	s0 =	sadd.s32 @!p0 $0x100000, s0  }
0xf7: {  	[sflag:s0] =	ssyncadd.tile.s32 @!p0 $0x1;
	_ =	shalt  }
.Lfunc_end2:
_tile_overlayer_lowered:
.L_overlay_start_2:
0xf8: {  	(tag) =	ssettag $0x2  }
0xf9: {  	s0 =	rddreg [dreg:$0x0];
	s2 =	stileid.u32  }
0xfa: {  	s1 =	rddreg [dreg:$0x1];
	p0 =	sne.s32 s2, $0x0  }
0xfb: {  	s3 =	rddreg [dreg:$0x2];
	[bflag:$0x3] =	sbarrier.arrive $0xFFFF;
	s2 =	simm.s32 @!p0 $0x1C03  }
0xfc: {  	[timem:s3], [sflag:s2] =	dma.local @!p0 [hbm:s0], s1  }
0xfd: {  	s0 =	simm.s32 @!p0 $0x3  }
0xfe: {  	_ =	swait.ge @!p0 [sflag:s0], s1  }
0xff: {  	s1 =	ssub.s32 @!p0 $0x0, s1;
	[sflag:s0] =	ssyncset.done @!p0 $0x0  }
0x100: {  	[sflag:s0] =	ssyncadd.s32 @!p0 s1  }
0x101: {  	[bflag:$0x3] =	sbarrier.arrive $0xFFFF  }
0x102: {  	_ =	shalt  }

</sc_bundles>
